<compile_context>
chip_gen: v7x
topology: tpu7x:2x2x1
jax: 0.10.2.dev20260603
libtpu: 0.0.44.dev20260713+nightly
codegen_flags: <defaults>
</compile_context>

<pallas_src>
import functools

import jax
import jax.numpy as jnp
from jax import lax
from jax.experimental import pallas as pl
from jax.experimental.pallas import tpu as pltpu
from jax.experimental.pallas import tpu_sc as plsc

VOCAB = 100000
D_MODEL = 64
D_PAD = 65
BATCH = 4096
HIST = 200
B_TOTAL = BATCH * HIST

_INFO = plsc.get_sparse_core_info()
_NC = _INFO.num_cores
_NS = _INFO.num_subcores
_L = _INFO.num_lanes
_NW = _NC * _NS
_BT = BATCH // _NW
_B_PER_W = _BT * HIST
_DT = D_MODEL // 8


def _emb_body(tok_hbm, w_hbm, out_hbm, tok_v, tokT_v, gbuf, sbuf, tbuf,
              gsem, osem):
  wid = lax.axis_index("s") * _NC + lax.axis_index("c")
  pltpu.sync_copy(tok_hbm.at[pl.ds(wid * _B_PER_W, _B_PER_W)], tok_v)

  lane = lax.iota(jnp.int32, _L)
  rows = [lane + j * _L for j in range(_BT // _L)]
  zcol = lane * 0

  @plsc.parallel_loop(0, HIST, unroll=2)
  def _tok_t(h):
    vals = [plsc.load_gather(tok_v, [r * HIST + h]) for r in rows]
    for j, v in enumerate(vals):
      tokT_v[h, pl.ds(j * _L, _L)] = v

  def gather(h, s):
    return pltpu.make_async_copy(
        w_hbm.at[tokT_v.at[h]], gbuf.at[s], gsem.at[s])

  def store(h, s):
    return pltpu.make_async_copy(
        tbuf.at[s], out_hbm.at[h, :, wid], osem.at[s])

  for hp in range(4):
    gather(hp, hp).start()

  @pl.loop(0, HIST)
  def _h(h):
    s = lax.rem(h, 4)
    gather(h, s).wait()

    @pl.when(h >= 4)
    def _drain():
      store(h - 4, s).wait()

    gsrc = gbuf.at[s]

    @plsc.parallel_loop(0, _BT, unroll=4)
    def _reskew(b):
      for j in range(D_MODEL // _L):
        sbuf[b, pl.ds(j * _L, _L)] = gsrc[b, pl.ds(j * _L, _L)]

    tdst = tbuf.at[s]

    @plsc.parallel_loop(0, D_MODEL, unroll=4)
    def _tp(d):
      dvec = zcol + d
      dt = lax.div(d, 8)
      di = lax.rem(d, 8)
      for j in range(_BT // _L):
        tdst[dt, di, pl.ds(j * _L, _L)] = plsc.load_gather(
            sbuf, [rows[j], dvec])

    store(h, s).start()

    @pl.when(h + 4 < HIST)
    def _next():
      gather(h + 4, s).start()

  for hh in range(HIST - 4, HIST):
    store(hh, hh % 4).wait()


_emb = functools.partial(
    pl.kernel,
    out_type=jax.ShapeDtypeStruct((HIST, _DT, _NW, 8, 128), jnp.float32),
    mesh=plsc.VectorSubcoreMesh(core_axis_name="c", subcore_axis_name="s"),
    scratch_types=[
        pltpu.VMEM((_B_PER_W,), jnp.int32),
        pltpu.VMEM((HIST, _BT), jnp.int32),
        pltpu.VMEM((4, _BT, D_MODEL), jnp.float32),
        pltpu.VMEM((_BT, D_PAD), jnp.float32),
        pltpu.VMEM((4, _DT, 8, 128), jnp.float32),
        pltpu.SemaphoreType.DMA((4,)),
        pltpu.SemaphoreType.DMA((4,)),
    ],
    compiler_params=pltpu.CompilerParams(
        use_tc_tiling_on_sc=False, needs_layout_passes=False),
)(_emb_body)


@jax.jit
def kernel(token_ids, weight):
  tok = token_ids.reshape(B_TOTAL).astype(jnp.int32)
  out5 = _emb(tok, weight)
  return out5.transpose(2, 4, 0, 1, 3).reshape(BATCH, HIST, D_MODEL)

# --- scband reference (transcript-rebuilt; emitter-appended) ---
"""Pipeline reference for scband-embedding-730144440521 (READ-ONLY COPY).

The authoritative reference and input builder live on the scoring server;
editing this copy changes nothing except your own understanding.
"""

import jax, jax.numpy as jnp
import numpy as np

VOCAB = 100000
D_MODEL = 64
BATCH = 4096
HIST = 200

def setup_inputs(seed: int = 0) -> dict:
    key = jax.random.key(seed)
    k1, k2 = jax.random.split(key)
    token_ids = jax.random.randint(k1, (BATCH, HIST), 0, VOCAB, dtype=jnp.int64 if jax.config.jax_enable_x64 else jnp.int32)
    std = 1.0
    w = jax.random.truncated_normal(k2, -3.0, 3.0, (VOCAB, D_MODEL), dtype=jnp.float32) * std
    return {"token_ids": token_ids, "weight": w}

def reference(token_ids, weight):
    # Embedding lookup: weight[token_ids, :]
    return jnp.take(weight, token_ids, axis=0)

if __name__ == "__main__":
    import jax
    _d = setup_inputs()
    print(jax.jit(kernel)(*tuple(_d.values())))

</pallas_src>

<mosaic_0001>
#map = affine_map<(d0, d1) -> (0)>
#map1 = affine_map<(d0, d1) -> (0, 0)>
#map2 = affine_map<(d0, d1) -> (0, 0, 0, 0, 0)>
module attributes {stable_mosaic.version = 14 : i64} {
  func.func @_emb_body(%arg0: i32, %arg1: i32, %arg2: memref<819200xi32, #tpu.memory_space<hbm>>, %arg3: memref<100000x64xf32, #tpu.memory_space<hbm>>, %arg4: memref<200x8x32x8x128xf32, #tpu.memory_space<hbm>>, %arg5: memref<25600xi32, #tpu.memory_space<vmem>>, %arg6: memref<200x128xi32, #tpu.memory_space<vmem>>, %arg7: memref<4x128x64xf32, #tpu.memory_space<vmem>>, %arg8: memref<128x65xf32, #tpu.memory_space<vmem>>, %arg9: memref<4x8x8x128xf32, #tpu.memory_space<vmem>>, %arg10: memref<4x!tpu.dma_semaphore, #tpu.memory_space<semaphore_mem>>, %arg11: memref<4x!tpu.dma_semaphore, #tpu.memory_space<semaphore_mem>>) attributes {dimension_semantics = [#tpu.dimension_semantics<core_parallel>, #tpu.dimension_semantics<subcore_parallel>], iteration_bounds = array<i64: 2, 16>, scalar_prefetch = 0 : i64, scratch_operands = 7 : i64, tpu.core_type = #tpu.core_type<sc_vector_subcore>, window_params = [{transform_indices = #map}, {transform_indices = #map1}, {transform_indices = #map2}]} {
    %mul3A = arith.constant 2 : i32
    %mul3A_0 = arith.muli %arg1, %mul3A : i32
    %add3A = arith.addi %mul3A_0, %arg0 : i32
    %mul3A_1 = arith.constant 25600 : i32
    %mul3A_2 = arith.muli %add3A, %mul3A_1 : i32
    "tpu.region"() ({
      %run_scoped3A = tpu.sem_alloc : memref<!tpu.dma_semaphore, #tpu.memory_space<semaphore_mem>>
      %dma_start3A_194 = tpu.memref_slice %arg2[%mul3A_2] : memref<819200xi32, #tpu.memory_space<hbm>> -> memref<25600xi32, #tpu.memory_space<hbm>>
      %dma_start3A_195 = tpu.memref_slice %arg2[%mul3A_2] : memref<819200xi32, #tpu.memory_space<hbm>> -> memref<25600xi32, #tpu.memory_space<hbm>>
      tpu.enqueue_dma source(%dma_start3A_195 : memref<25600xi32, #tpu.memory_space<hbm>>) target(%arg5 : memref<25600xi32, #tpu.memory_space<vmem>>) target_semaphore(%run_scoped3A : memref<!tpu.dma_semaphore, #tpu.memory_space<semaphore_mem>>)
      %dma_wait3A_196 = tpu.memref_slice %arg2[%mul3A_2] : memref<819200xi32, #tpu.memory_space<hbm>> -> memref<25600xi32, #tpu.memory_space<hbm>>
      %dma_wait3A_197 = tpu.memref_slice %arg2[%mul3A_2] : memref<819200xi32, #tpu.memory_space<hbm>> -> memref<25600xi32, #tpu.memory_space<hbm>>
      tpu.wait_dma2 semaphore(%run_scoped3A : memref<!tpu.dma_semaphore, #tpu.memory_space<semaphore_mem>>) src(%dma_wait3A_197 : memref<25600xi32, #tpu.memory_space<hbm>>) dst(%arg5 : memref<25600xi32, #tpu.memory_space<vmem>>)
      tpu.yield
    }) : () -> ()
    %iota3A = tpu.iota {dimensions = array<i32: 0>} : vector<16xi32>
    %add3A_3 = arith.constant 0 : i32
    %add3A_4 = vector.broadcast %add3A_3 : i32 to vector<16xi32>
    %add3A_5 = arith.addi %iota3A, %add3A_4 : vector<16xi32>
    %add3A_6 = arith.constant 16 : i32
    %add3A_7 = vector.broadcast %add3A_6 : i32 to vector<16xi32>
    %add3A_8 = arith.addi %iota3A, %add3A_7 : vector<16xi32>
    %add3A_9 = arith.constant 32 : i32
    %add3A_10 = vector.broadcast %add3A_9 : i32 to vector<16xi32>
    %add3A_11 = arith.addi %iota3A, %add3A_10 : vector<16xi32>
    %add3A_12 = arith.constant 48 : i32
    %add3A_13 = vector.broadcast %add3A_12 : i32 to vector<16xi32>
    %add3A_14 = arith.addi %iota3A, %add3A_13 : vector<16xi32>
    %add3A_15 = arith.constant 64 : i32
    %add3A_16 = vector.broadcast %add3A_15 : i32 to vector<16xi32>
    %add3A_17 = arith.addi %iota3A, %add3A_16 : vector<16xi32>
    %add3A_18 = arith.constant 80 : i32
    %add3A_19 = vector.broadcast %add3A_18 : i32 to vector<16xi32>
    %add3A_20 = arith.addi %iota3A, %add3A_19 : vector<16xi32>
    %add3A_21 = arith.constant 96 : i32
    %add3A_22 = vector.broadcast %add3A_21 : i32 to vector<16xi32>
    %add3A_23 = arith.addi %iota3A, %add3A_22 : vector<16xi32>
    %add3A_24 = arith.constant 112 : i32
    %add3A_25 = vector.broadcast %add3A_24 : i32 to vector<16xi32>
    %add3A_26 = arith.addi %iota3A, %add3A_25 : vector<16xi32>
    %mul3A_27 = arith.constant 0 : i32
    %mul3A_28 = vector.broadcast %mul3A_27 : i32 to vector<16xi32>
    %mul3A_29 = arith.muli %iota3A, %mul3A_28 : vector<16xi32>
    %parallel_loop3A = arith.constant 0 : i32
    %parallel_loop3A_30 = arith.constant 200 : i32
    %parallel_loop3A_31 = arith.constant 1 : i32
    scf.for %parallel_loop3A_194 = %parallel_loop3A to %parallel_loop3A_30 step %parallel_loop3A_31  : i32 {
      %parallel_loop3A_195 = arith.constant 200 : i32
      %parallel_loop3A_196 = vector.broadcast %parallel_loop3A_195 : i32 to vector<16xi32>
      %parallel_loop3A_197 = arith.muli %add3A_5, %parallel_loop3A_196 : vector<16xi32>
      %parallel_loop3A_198 = vector.broadcast %parallel_loop3A_194 : i32 to vector<16xi32>
      %parallel_loop3A_199 = arith.addi %parallel_loop3A_197, %parallel_loop3A_198 : vector<16xi32>
      %parallel_loop3A_200 = tpu.vector_load_idx %arg5[%parallel_loop3A_199] : memref<25600xi32, #tpu.memory_space<vmem>>[vector<16xi32>], vector<16xi32>,
      %parallel_loop3A_201 = arith.constant 200 : i32
      %parallel_loop3A_202 = vector.broadcast %parallel_loop3A_201 : i32 to vector<16xi32>
      %parallel_loop3A_203 = arith.muli %add3A_8, %parallel_loop3A_202 : vector<16xi32>
      %parallel_loop3A_204 = vector.broadcast %parallel_loop3A_194 : i32 to vector<16xi32>
      %parallel_loop3A_205 = arith.addi %parallel_loop3A_203, %parallel_loop3A_204 : vector<16xi32>
      %parallel_loop3A_206 = tpu.vector_load_idx %arg5[%parallel_loop3A_205] : memref<25600xi32, #tpu.memory_space<vmem>>[vector<16xi32>], vector<16xi32>,
      %parallel_loop3A_207 = arith.constant 200 : i32
      %parallel_loop3A_208 = vector.broadcast %parallel_loop3A_207 : i32 to vector<16xi32>
      %parallel_loop3A_209 = arith.muli %add3A_11, %parallel_loop3A_208 : vector<16xi32>
      %parallel_loop3A_210 = vector.broadcast %parallel_loop3A_194 : i32 to vector<16xi32>
      %parallel_loop3A_211 = arith.addi %parallel_loop3A_209, %parallel_loop3A_210 : vector<16xi32>
      %parallel_loop3A_212 = tpu.vector_load_idx %arg5[%parallel_loop3A_211] : memref<25600xi32, #tpu.memory_space<vmem>>[vector<16xi32>], vector<16xi32>,
      %parallel_loop3A_213 = arith.constant 200 : i32
      %parallel_loop3A_214 = vector.broadcast %parallel_loop3A_213 : i32 to vector<16xi32>
      %parallel_loop3A_215 = arith.muli %add3A_14, %parallel_loop3A_214 : vector<16xi32>
      %parallel_loop3A_216 = vector.broadcast %parallel_loop3A_194 : i32 to vector<16xi32>
      %parallel_loop3A_217 = arith.addi %parallel_loop3A_215, %parallel_loop3A_216 : vector<16xi32>
      %parallel_loop3A_218 = tpu.vector_load_idx %arg5[%parallel_loop3A_217] : memref<25600xi32, #tpu.memory_space<vmem>>[vector<16xi32>], vector<16xi32>,
      %parallel_loop3A_219 = arith.constant 200 : i32
      %parallel_loop3A_220 = vector.broadcast %parallel_loop3A_219 : i32 to vector<16xi32>
      %parallel_loop3A_221 = arith.muli %add3A_17, %parallel_loop3A_220 : vector<16xi32>
      %parallel_loop3A_222 = vector.broadcast %parallel_loop3A_194 : i32 to vector<16xi32>
      %parallel_loop3A_223 = arith.addi %parallel_loop3A_221, %parallel_loop3A_222 : vector<16xi32>
      %parallel_loop3A_224 = tpu.vector_load_idx %arg5[%parallel_loop3A_223] : memref<25600xi32, #tpu.memory_space<vmem>>[vector<16xi32>], vector<16xi32>,
      %parallel_loop3A_225 = arith.constant 200 : i32
      %parallel_loop3A_226 = vector.broadcast %parallel_loop3A_225 : i32 to vector<16xi32>
      %parallel_loop3A_227 = arith.muli %add3A_20, %parallel_loop3A_226 : vector<16xi32>
      %parallel_loop3A_228 = vector.broadcast %parallel_loop3A_194 : i32 to vector<16xi32>
      %parallel_loop3A_229 = arith.addi %parallel_loop3A_227, %parallel_loop3A_228 : vector<16xi32>
      %parallel_loop3A_230 = tpu.vector_load_idx %arg5[%parallel_loop3A_229] : memref<25600xi32, #tpu.memory_space<vmem>>[vector<16xi32>], vector<16xi32>,
      %parallel_loop3A_231 = arith.constant 200 : i32
      %parallel_loop3A_232 = vector.broadcast %parallel_loop3A_231 : i32 to vector<16xi32>
      %parallel_loop3A_233 = arith.muli %add3A_23, %parallel_loop3A_232 : vector<16xi32>
      %parallel_loop3A_234 = vector.broadcast %parallel_loop3A_194 : i32 to vector<16xi32>
      %parallel_loop3A_235 = arith.addi %parallel_loop3A_233, %parallel_loop3A_234 : vector<16xi32>
      %parallel_loop3A_236 = tpu.vector_load_idx %arg5[%parallel_loop3A_235] : memref<25600xi32, #tpu.memory_space<vmem>>[vector<16xi32>], vector<16xi32>,
      %parallel_loop3A_237 = arith.constant 200 : i32
      %parallel_loop3A_238 = vector.broadcast %parallel_loop3A_237 : i32 to vector<16xi32>
      %parallel_loop3A_239 = arith.muli %add3A_26, %parallel_loop3A_238 : vector<16xi32>
      %parallel_loop3A_240 = vector.broadcast %parallel_loop3A_194 : i32 to vector<16xi32>
      %parallel_loop3A_241 = arith.addi %parallel_loop3A_239, %parallel_loop3A_240 : vector<16xi32>
      %parallel_loop3A_242 = tpu.vector_load_idx %arg5[%parallel_loop3A_241] : memref<25600xi32, #tpu.memory_space<vmem>>[vector<16xi32>], vector<16xi32>,
      %parallel_loop3A_243 = arith.index_cast %parallel_loop3A_194 : i32 to index
      %parallel_loop3A_244 = arith.constant 0 : index
      %parallel_loop3A_245 = tpu.vector_load %arg6[%parallel_loop3A_243, %parallel_loop3A_244] {strides = array<i32>} : memref<200x128xi32, #tpu.memory_space<vmem>>, vector<16xi32>,
      tpu.vector_store %arg6[%parallel_loop3A_243, %parallel_loop3A_244], %parallel_loop3A_200 {strides = array<i32>} : memref<200x128xi32, #tpu.memory_space<vmem>>, vector<16xi32>,
      %parallel_loop3A_246 = arith.index_cast %parallel_loop3A_194 : i32 to index
      %parallel_loop3A_247 = arith.constant 16 : index
      %parallel_loop3A_248 = tpu.vector_load %arg6[%parallel_loop3A_246, %parallel_loop3A_247] {strides = array<i32>} : memref<200x128xi32, #tpu.memory_space<vmem>>, vector<16xi32>,
      tpu.vector_store %arg6[%parallel_loop3A_246, %parallel_loop3A_247], %parallel_loop3A_206 {strides = array<i32>} : memref<200x128xi32, #tpu.memory_space<vmem>>, vector<16xi32>,
      %parallel_loop3A_249 = arith.index_cast %parallel_loop3A_194 : i32 to index
      %parallel_loop3A_250 = arith.constant 32 : index
      %parallel_loop3A_251 = tpu.vector_load %arg6[%parallel_loop3A_249, %parallel_loop3A_250] {strides = array<i32>} : memref<200x128xi32, #tpu.memory_space<vmem>>, vector<16xi32>,
      tpu.vector_store %arg6[%parallel_loop3A_249, %parallel_loop3A_250], %parallel_loop3A_212 {strides = array<i32>} : memref<200x128xi32, #tpu.memory_space<vmem>>, vector<16xi32>,
      %parallel_loop3A_252 = arith.index_cast %parallel_loop3A_194 : i32 to index
      %parallel_loop3A_253 = arith.constant 48 : index
      %parallel_loop3A_254 = tpu.vector_load %arg6[%parallel_loop3A_252, %parallel_loop3A_253] {strides = array<i32>} : memref<200x128xi32, #tpu.memory_space<vmem>>, vector<16xi32>,
      tpu.vector_store %arg6[%parallel_loop3A_252, %parallel_loop3A_253], %parallel_loop3A_218 {strides = array<i32>} : memref<200x128xi32, #tpu.memory_space<vmem>>, vector<16xi32>,
      %parallel_loop3A_255 = arith.index_cast %parallel_loop3A_194 : i32 to index
      %parallel_loop3A_256 = arith.constant 64 : index
      %parallel_loop3A_257 = tpu.vector_load %arg6[%parallel_loop3A_255, %parallel_loop3A_256] {strides = array<i32>} : memref<200x128xi32, #tpu.memory_space<vmem>>, vector<16xi32>,
      tpu.vector_store %arg6[%parallel_loop3A_255, %parallel_loop3A_256], %parallel_loop3A_224 {strides = array<i32>} : memref<200x128xi32, #tpu.memory_space<vmem>>, vector<16xi32>,
      %parallel_loop3A_258 = arith.index_cast %parallel_loop3A_194 : i32 to index
      %parallel_loop3A_259 = arith.constant 80 : index
      %parallel_loop3A_260 = tpu.vector_load %arg6[%parallel_loop3A_258, %parallel_loop3A_259] {strides = array<i32>} : memref<200x128xi32, #tpu.memory_space<vmem>>, vector<16xi32>,
      tpu.vector_store %arg6[%parallel_loop3A_258, %parallel_loop3A_259], %parallel_loop3A_230 {strides = array<i32>} : memref<200x128xi32, #tpu.memory_space<vmem>>, vector<16xi32>,
      %parallel_loop3A_261 = arith.index_cast %parallel_loop3A_194 : i32 to index
      %parallel_loop3A_262 = arith.constant 96 : index
      %parallel_loop3A_263 = tpu.vector_load %arg6[%parallel_loop3A_261, %parallel_loop3A_262] {strides = array<i32>} : memref<200x128xi32, #tpu.memory_space<vmem>>, vector<16xi32>,
      tpu.vector_store %arg6[%parallel_loop3A_261, %parallel_loop3A_262], %parallel_loop3A_236 {strides = array<i32>} : memref<200x128xi32, #tpu.memory_space<vmem>>, vector<16xi32>,
      %parallel_loop3A_264 = arith.index_cast %parallel_loop3A_194 : i32 to index
      %parallel_loop3A_265 = arith.constant 112 : index
      %parallel_loop3A_266 = tpu.vector_load %arg6[%parallel_loop3A_264, %parallel_loop3A_265] {strides = array<i32>} : memref<200x128xi32, #tpu.memory_space<vmem>>, vector<16xi32>,
      tpu.vector_store %arg6[%parallel_loop3A_264, %parallel_loop3A_265], %parallel_loop3A_242 {strides = array<i32>} : memref<200x128xi32, #tpu.memory_space<vmem>>, vector<16xi32>,
    } {sc.loop_unroll_factor = 2 : i64, sc.parallel_access}
    %dma_start3A = arith.constant 0 : i32
    %dma_start3A_32 = arith.constant 0 : i32
    %dma_start3A_33 = arith.constant 0 : i32
    %dma_start3A_34 = arith.constant 0 : i32
    %dma_start3A_35 = arith.constant 0 : i32
    %dma_start3A_36 = tpu.memref_slice %arg7[%dma_start3A_32, %dma_start3A_34, %dma_start3A_35] : memref<4x128x64xf32, #tpu.memory_space<vmem>> -> memref<1x128x64xf32, #tpu.memory_space<vmem>>
    %dma_start3A_37 = tpu.memref_squeeze %dma_start3A_36 : memref<1x128x64xf32, #tpu.memory_space<vmem>> -> memref<128x64xf32, #tpu.memory_space<vmem>>
    %dma_start3A_38 = arith.constant 0 : i32
    %dma_start3A_39 = tpu.memref_slice %arg6[%dma_start3A, %dma_start3A_38] : memref<200x128xi32, #tpu.memory_space<vmem>> -> memref<1x128xi32, #tpu.memory_space<vmem>>
    %dma_start3A_40 = tpu.memref_squeeze %dma_start3A_39 : memref<1x128xi32, #tpu.memory_space<vmem>> -> memref<128xi32, #tpu.memory_space<vmem>>
    %dma_start3A_41 = arith.constant 0 : i32
    %dma_start3A_42 = arith.constant 0 : i32
    %dma_start3A_43 = tpu.memref_slice %arg3[%dma_start3A_41, %dma_start3A_42] : memref<100000x64xf32, #tpu.memory_space<hbm>> -> memref<100000x64xf32, #tpu.memory_space<hbm>>
    %dma_start3A_44 = tpu.memref_slice %arg10[%dma_start3A_33] : memref<4x!tpu.dma_semaphore, #tpu.memory_space<semaphore_mem>> -> memref<1x!tpu.dma_semaphore, #tpu.memory_space<semaphore_mem>>
    %dma_start3A_45 = tpu.memref_squeeze %dma_start3A_44 : memref<1x!tpu.dma_semaphore, #tpu.memory_space<semaphore_mem>> -> memref<!tpu.dma_semaphore, #tpu.memory_space<semaphore_mem>>
    tpu.enqueue_indirect_dma source(%dma_start3A_43 : memref<100000x64xf32, #tpu.memory_space<hbm>>) target(%dma_start3A_37 : memref<128x64xf32, #tpu.memory_space<vmem>>) offsets(%dma_start3A_40 : memref<128xi32, #tpu.memory_space<vmem>>) semaphore(%dma_start3A_45 : memref<!tpu.dma_semaphore, #tpu.memory_space<semaphore_mem>>)
    %dma_start3A_46 = arith.constant 1 : i32
    %dma_start3A_47 = arith.constant 1 : i32
    %dma_start3A_48 = arith.constant 1 : i32
    %dma_start3A_49 = arith.constant 0 : i32
    %dma_start3A_50 = arith.constant 0 : i32
    %dma_start3A_51 = tpu.memref_slice %arg7[%dma_start3A_47, %dma_start3A_49, %dma_start3A_50] : memref<4x128x64xf32, #tpu.memory_space<vmem>> -> memref<1x128x64xf32, #tpu.memory_space<vmem>>
    %dma_start3A_52 = tpu.memref_squeeze %dma_start3A_51 : memref<1x128x64xf32, #tpu.memory_space<vmem>> -> memref<128x64xf32, #tpu.memory_space<vmem>>
    %dma_start3A_53 = arith.constant 0 : i32
    %dma_start3A_54 = tpu.memref_slice %arg6[%dma_start3A_46, %dma_start3A_53] : memref<200x128xi32, #tpu.memory_space<vmem>> -> memref<1x128xi32, #tpu.memory_space<vmem>>
    %dma_start3A_55 = tpu.memref_squeeze %dma_start3A_54 : memref<1x128xi32, #tpu.memory_space<vmem>> -> memref<128xi32, #tpu.memory_space<vmem>>
    %dma_start3A_56 = arith.constant 0 : i32
    %dma_start3A_57 = arith.constant 0 : i32
    %dma_start3A_58 = tpu.memref_slice %arg3[%dma_start3A_56, %dma_start3A_57] : memref<100000x64xf32, #tpu.memory_space<hbm>> -> memref<100000x64xf32, #tpu.memory_space<hbm>>
    %dma_start3A_59 = tpu.memref_slice %arg10[%dma_start3A_48] : memref<4x!tpu.dma_semaphore, #tpu.memory_space<semaphore_mem>> -> memref<1x!tpu.dma_semaphore, #tpu.memory_space<semaphore_mem>>
    %dma_start3A_60 = tpu.memref_squeeze %dma_start3A_59 : memref<1x!tpu.dma_semaphore, #tpu.memory_space<semaphore_mem>> -> memref<!tpu.dma_semaphore, #tpu.memory_space<semaphore_mem>>
    tpu.enqueue_indirect_dma source(%dma_start3A_58 : memref<100000x64xf32, #tpu.memory_space<hbm>>) target(%dma_start3A_52 : memref<128x64xf32, #tpu.memory_space<vmem>>) offsets(%dma_start3A_55 : memref<128xi32, #tpu.memory_space<vmem>>) semaphore(%dma_start3A_60 : memref<!tpu.dma_semaphore, #tpu.memory_space<semaphore_mem>>)
    %dma_start3A_61 = arith.constant 2 : i32
    %dma_start3A_62 = arith.constant 2 : i32
    %dma_start3A_63 = arith.constant 2 : i32
    %dma_start3A_64 = arith.constant 0 : i32
    %dma_start3A_65 = arith.constant 0 : i32
    %dma_start3A_66 = tpu.memref_slice %arg7[%dma_start3A_62, %dma_start3A_64, %dma_start3A_65] : memref<4x128x64xf32, #tpu.memory_space<vmem>> -> memref<1x128x64xf32, #tpu.memory_space<vmem>>
    %dma_start3A_67 = tpu.memref_squeeze %dma_start3A_66 : memref<1x128x64xf32, #tpu.memory_space<vmem>> -> memref<128x64xf32, #tpu.memory_space<vmem>>
    %dma_start3A_68 = arith.constant 0 : i32
    %dma_start3A_69 = tpu.memref_slice %arg6[%dma_start3A_61, %dma_start3A_68] : memref<200x128xi32, #tpu.memory_space<vmem>> -> memref<1x128xi32, #tpu.memory_space<vmem>>
    %dma_start3A_70 = tpu.memref_squeeze %dma_start3A_69 : memref<1x128xi32, #tpu.memory_space<vmem>> -> memref<128xi32, #tpu.memory_space<vmem>>
    %dma_start3A_71 = arith.constant 0 : i32
    %dma_start3A_72 = arith.constant 0 : i32
    %dma_start3A_73 = tpu.memref_slice %arg3[%dma_start3A_71, %dma_start3A_72] : memref<100000x64xf32, #tpu.memory_space<hbm>> -> memref<100000x64xf32, #tpu.memory_space<hbm>>
    %dma_start3A_74 = tpu.memref_slice %arg10[%dma_start3A_63] : memref<4x!tpu.dma_semaphore, #tpu.memory_space<semaphore_mem>> -> memref<1x!tpu.dma_semaphore, #tpu.memory_space<semaphore_mem>>
    %dma_start3A_75 = tpu.memref_squeeze %dma_start3A_74 : memref<1x!tpu.dma_semaphore, #tpu.memory_space<semaphore_mem>> -> memref<!tpu.dma_semaphore, #tpu.memory_space<semaphore_mem>>
    tpu.enqueue_indirect_dma source(%dma_start3A_73 : memref<100000x64xf32, #tpu.memory_space<hbm>>) target(%dma_start3A_67 : memref<128x64xf32, #tpu.memory_space<vmem>>) offsets(%dma_start3A_70 : memref<128xi32, #tpu.memory_space<vmem>>) semaphore(%dma_start3A_75 : memref<!tpu.dma_semaphore, #tpu.memory_space<semaphore_mem>>)
    %dma_start3A_76 = arith.constant 3 : i32
    %dma_start3A_77 = arith.constant 3 : i32
    %dma_start3A_78 = arith.constant 3 : i32
    %dma_start3A_79 = arith.constant 0 : i32
    %dma_start3A_80 = arith.constant 0 : i32
    %dma_start3A_81 = tpu.memref_slice %arg7[%dma_start3A_77, %dma_start3A_79, %dma_start3A_80] : memref<4x128x64xf32, #tpu.memory_space<vmem>> -> memref<1x128x64xf32, #tpu.memory_space<vmem>>
    %dma_start3A_82 = tpu.memref_squeeze %dma_start3A_81 : memref<1x128x64xf32, #tpu.memory_space<vmem>> -> memref<128x64xf32, #tpu.memory_space<vmem>>
    %dma_start3A_83 = arith.constant 0 : i32
    %dma_start3A_84 = tpu.memref_slice %arg6[%dma_start3A_76, %dma_start3A_83] : memref<200x128xi32, #tpu.memory_space<vmem>> -> memref<1x128xi32, #tpu.memory_space<vmem>>
    %dma_start3A_85 = tpu.memref_squeeze %dma_start3A_84 : memref<1x128xi32, #tpu.memory_space<vmem>> -> memref<128xi32, #tpu.memory_space<vmem>>
    %dma_start3A_86 = arith.constant 0 : i32
    %dma_start3A_87 = arith.constant 0 : i32
    %dma_start3A_88 = tpu.memref_slice %arg3[%dma_start3A_86, %dma_start3A_87] : memref<100000x64xf32, #tpu.memory_space<hbm>> -> memref<100000x64xf32, #tpu.memory_space<hbm>>
    %dma_start3A_89 = tpu.memref_slice %arg10[%dma_start3A_78] : memref<4x!tpu.dma_semaphore, #tpu.memory_space<semaphore_mem>> -> memref<1x!tpu.dma_semaphore, #tpu.memory_space<semaphore_mem>>
    %dma_start3A_90 = tpu.memref_squeeze %dma_start3A_89 : memref<1x!tpu.dma_semaphore, #tpu.memory_space<semaphore_mem>> -> memref<!tpu.dma_semaphore, #tpu.memory_space<semaphore_mem>>
    tpu.enqueue_indirect_dma source(%dma_start3A_88 : memref<100000x64xf32, #tpu.memory_space<hbm>>) target(%dma_start3A_82 : memref<128x64xf32, #tpu.memory_space<vmem>>) offsets(%dma_start3A_85 : memref<128xi32, #tpu.memory_space<vmem>>) semaphore(%dma_start3A_90 : memref<!tpu.dma_semaphore, #tpu.memory_space<semaphore_mem>>)
    %scan3A = arith.constant 0 : i32
    %scan3A_91 = arith.constant 200 : i32
    %scan3A_92 = arith.addi %scan3A, %scan3A_91 : i32
    %scan3A_93 = arith.constant 1 : i32
    scf.for %scan3A_194 = %scan3A to %scan3A_92 step %scan3A_93  : i32 {
      %mul3A_195 = arith.constant 1 : i32
      %mul3A_196 = arith.muli %scan3A_194, %mul3A_195 : i32
      %add3A_197 = arith.constant 0 : i32
      %add3A_198 = arith.addi %add3A_197, %mul3A_196 : i32
      %rem3A = arith.constant 4 : i32
      %rem3A_199 = arith.remsi %add3A_198, %rem3A : i32
      %dma_wait3A_200 = arith.constant 0 : i32
      %dma_wait3A_201 = arith.constant 0 : i32
      %dma_wait3A_202 = tpu.memref_slice %arg7[%rem3A_199, %dma_wait3A_200, %dma_wait3A_201] : memref<4x128x64xf32, #tpu.memory_space<vmem>> -> memref<1x128x64xf32, #tpu.memory_space<vmem>>
      %dma_wait3A_203 = tpu.memref_squeeze %dma_wait3A_202 : memref<1x128x64xf32, #tpu.memory_space<vmem>> -> memref<128x64xf32, #tpu.memory_space<vmem>>
      %dma_wait3A_204 = arith.constant 0 : i32
      %dma_wait3A_205 = tpu.memref_slice %arg6[%add3A_198, %dma_wait3A_204] : memref<200x128xi32, #tpu.memory_space<vmem>> -> memref<1x128xi32, #tpu.memory_space<vmem>>
      %dma_wait3A_206 = tpu.memref_squeeze %dma_wait3A_205 : memref<1x128xi32, #tpu.memory_space<vmem>> -> memref<128xi32, #tpu.memory_space<vmem>>
      %dma_wait3A_207 = arith.constant 0 : i32
      %dma_wait3A_208 = arith.constant 0 : i32
      %dma_wait3A_209 = tpu.memref_slice %arg3[%dma_wait3A_207, %dma_wait3A_208] : memref<100000x64xf32, #tpu.memory_space<hbm>> -> memref<100000x64xf32, #tpu.memory_space<hbm>>
      %dma_wait3A_210 = tpu.memref_slice %arg10[%rem3A_199] : memref<4x!tpu.dma_semaphore, #tpu.memory_space<semaphore_mem>> -> memref<1x!tpu.dma_semaphore, #tpu.memory_space<semaphore_mem>>
      %dma_wait3A_211 = tpu.memref_squeeze %dma_wait3A_210 : memref<1x!tpu.dma_semaphore, #tpu.memory_space<semaphore_mem>> -> memref<!tpu.dma_semaphore, #tpu.memory_space<semaphore_mem>>
      tpu.wait_indirect_dma semaphore(%dma_wait3A_211 : memref<!tpu.dma_semaphore, #tpu.memory_space<semaphore_mem>>) src(%dma_wait3A_209 : memref<100000x64xf32, #tpu.memory_space<hbm>>) dst(%dma_wait3A_203 : memref<128x64xf32, #tpu.memory_space<vmem>>)
      %ge3A = arith.constant 4 : i32
      %ge3A_212 = arith.cmpi sge, %add3A_198, %ge3A : i32
      %convert_element_type3A = arith.extui %ge3A_212 : i1 to i32
      %cond3A = arith.constant 0 : i32
      %cond3A_213 = arith.cmpi ne, %convert_element_type3A, %cond3A : i32
      scf.if %cond3A_213 {
        %sub3A = arith.constant 4 : i32
        %sub3A_248 = arith.subi %add3A_198, %sub3A : i32
        %dma_wait3A_249 = arith.constant 0 : i32
        %dma_wait3A_250 = arith.constant 0 : i32
        %dma_wait3A_251 = arith.constant 0 : i32
        %dma_wait3A_252 = tpu.memref_slice %arg9[%rem3A_199, %dma_wait3A_249, %dma_wait3A_250, %dma_wait3A_251] : memref<4x8x8x128xf32, #tpu.memory_space<vmem>> -> memref<1x8x8x128xf32, #tpu.memory_space<vmem>>
        %dma_wait3A_253 = tpu.memref_squeeze %dma_wait3A_252 : memref<1x8x8x128xf32, #tpu.memory_space<vmem>> -> memref<8x8x128xf32, #tpu.memory_space<vmem>>
        %dma_wait3A_254 = arith.constant 0 : i32
        %dma_wait3A_255 = arith.constant 0 : i32
        %dma_wait3A_256 = arith.constant 0 : i32
        %dma_wait3A_257 = tpu.memref_slice %arg4[%sub3A_248, %dma_wait3A_254, %add3A, %dma_wait3A_255, %dma_wait3A_256] : memref<200x8x32x8x128xf32, #tpu.memory_space<hbm>> -> memref<1x8x1x8x128xf32, #tpu.memory_space<hbm>>
        %dma_wait3A_258 = tpu.memref_squeeze %dma_wait3A_257 : memref<1x8x1x8x128xf32, #tpu.memory_space<hbm>> -> memref<8x8x128xf32, #tpu.memory_space<hbm>>
        %dma_wait3A_259 = tpu.memref_slice %arg11[%rem3A_199] : memref<4x!tpu.dma_semaphore, #tpu.memory_space<semaphore_mem>> -> memref<1x!tpu.dma_semaphore, #tpu.memory_space<semaphore_mem>>
        %dma_wait3A_260 = tpu.memref_squeeze %dma_wait3A_259 : memref<1x!tpu.dma_semaphore, #tpu.memory_space<semaphore_mem>> -> memref<!tpu.dma_semaphore, #tpu.memory_space<semaphore_mem>>
        %dma_wait3A_261 = arith.constant 0 : i32
        %dma_wait3A_262 = arith.constant 0 : i32
        %dma_wait3A_263 = arith.constant 0 : i32
        %dma_wait3A_264 = tpu.memref_slice %arg4[%sub3A_248, %dma_wait3A_261, %add3A, %dma_wait3A_262, %dma_wait3A_263] : memref<200x8x32x8x128xf32, #tpu.memory_space<hbm>> -> memref<1x8x1x8x128xf32, #tpu.memory_space<hbm>>
        %dma_wait3A_265 = tpu.memref_squeeze %dma_wait3A_264 : memref<1x8x1x8x128xf32, #tpu.memory_space<hbm>> -> memref<8x8x128xf32, #tpu.memory_space<hbm>>
        %dma_wait3A_266 = arith.constant 0 : i32
        %dma_wait3A_267 = arith.constant 0 : i32
        %dma_wait3A_268 = arith.constant 0 : i32
        %dma_wait3A_269 = tpu.memref_slice %arg9[%rem3A_199, %dma_wait3A_266, %dma_wait3A_267, %dma_wait3A_268] : memref<4x8x8x128xf32, #tpu.memory_space<vmem>> -> memref<1x8x8x128xf32, #tpu.memory_space<vmem>>
        %dma_wait3A_270 = tpu.memref_squeeze %dma_wait3A_269 : memref<1x8x8x128xf32, #tpu.memory_space<vmem>> -> memref<8x8x128xf32, #tpu.memory_space<vmem>>
        tpu.wait_dma2 semaphore(%dma_wait3A_260 : memref<!tpu.dma_semaphore, #tpu.memory_space<semaphore_mem>>) src(%dma_wait3A_270 : memref<8x8x128xf32, #tpu.memory_space<vmem>>) dst(%dma_wait3A_265 : memref<8x8x128xf32, #tpu.memory_space<hbm>>)
      } else {
      }
      %parallel_loop3A_214 = arith.constant 0 : i32
      %parallel_loop3A_215 = arith.constant 128 : i32
      %parallel_loop3A_216 = arith.constant 1 : i32
      scf.for %parallel_loop3A_248 = %parallel_loop3A_214 to %parallel_loop3A_215 step %parallel_loop3A_216  : i32 {
        %parallel_loop3A_249 = arith.constant 0 : i32
        %parallel_loop3A_250 = arith.constant 0 : i32
        %parallel_loop3A_251 = tpu.memref_slice %arg7[%rem3A_199, %parallel_loop3A_249, %parallel_loop3A_250] : memref<4x128x64xf32, #tpu.memory_space<vmem>> -> memref<1x128x64xf32, #tpu.memory_space<vmem>>
        %parallel_loop3A_252 = tpu.memref_squeeze %parallel_loop3A_251 : memref<1x128x64xf32, #tpu.memory_space<vmem>> -> memref<128x64xf32, #tpu.memory_space<vmem>>
        %parallel_loop3A_253 = arith.index_cast %parallel_loop3A_248 : i32 to index
        %parallel_loop3A_254 = arith.constant 0 : index
        %parallel_loop3A_255 = tpu.vector_load %parallel_loop3A_252[%parallel_loop3A_253, %parallel_loop3A_254] {strides = array<i32>} : memref<128x64xf32, #tpu.memory_space<vmem>>, vector<16xf32>,
        %parallel_loop3A_256 = arith.index_cast %parallel_loop3A_248 : i32 to index
        %parallel_loop3A_257 = arith.constant 0 : index
        %parallel_loop3A_258 = tpu.vector_load %arg8[%parallel_loop3A_256, %parallel_loop3A_257] {strides = array<i32>} : memref<128x65xf32, #tpu.memory_space<vmem>>, vector<16xf32>,
        tpu.vector_store %arg8[%parallel_loop3A_256, %parallel_loop3A_257], %parallel_loop3A_255 {strides = array<i32>} : memref<128x65xf32, #tpu.memory_space<vmem>>, vector<16xf32>,
        %parallel_loop3A_259 = arith.constant 0 : i32
        %parallel_loop3A_260 = arith.constant 0 : i32
        %parallel_loop3A_261 = tpu.memref_slice %arg7[%rem3A_199, %parallel_loop3A_259, %parallel_loop3A_260] : memref<4x128x64xf32, #tpu.memory_space<vmem>> -> memref<1x128x64xf32, #tpu.memory_space<vmem>>
        %parallel_loop3A_262 = tpu.memref_squeeze %parallel_loop3A_261 : memref<1x128x64xf32, #tpu.memory_space<vmem>> -> memref<128x64xf32, #tpu.memory_space<vmem>>
        %parallel_loop3A_263 = arith.index_cast %parallel_loop3A_248 : i32 to index
        %parallel_loop3A_264 = arith.constant 16 : index
        %parallel_loop3A_265 = tpu.vector_load %parallel_loop3A_262[%parallel_loop3A_263, %parallel_loop3A_264] {strides = array<i32>} : memref<128x64xf32, #tpu.memory_space<vmem>>, vector<16xf32>,
        %parallel_loop3A_266 = arith.index_cast %parallel_loop3A_248 : i32 to index
        %parallel_loop3A_267 = arith.constant 16 : index
        %parallel_loop3A_268 = tpu.vector_load %arg8[%parallel_loop3A_266, %parallel_loop3A_267] {strides = array<i32>} : memref<128x65xf32, #tpu.memory_space<vmem>>, vector<16xf32>,
        tpu.vector_store %arg8[%parallel_loop3A_266, %parallel_loop3A_267], %parallel_loop3A_265 {strides = array<i32>} : memref<128x65xf32, #tpu.memory_space<vmem>>, vector<16xf32>,
        %parallel_loop3A_269 = arith.constant 0 : i32
        %parallel_loop3A_270 = arith.constant 0 : i32
        %parallel_loop3A_271 = tpu.memref_slice %arg7[%rem3A_199, %parallel_loop3A_269, %parallel_loop3A_270] : memref<4x128x64xf32, #tpu.memory_space<vmem>> -> memref<1x128x64xf32, #tpu.memory_space<vmem>>
        %parallel_loop3A_272 = tpu.memref_squeeze %parallel_loop3A_271 : memref<1x128x64xf32, #tpu.memory_space<vmem>> -> memref<128x64xf32, #tpu.memory_space<vmem>>
        %parallel_loop3A_273 = arith.index_cast %parallel_loop3A_248 : i32 to index
        %parallel_loop3A_274 = arith.constant 32 : index
        %parallel_loop3A_275 = tpu.vector_load %parallel_loop3A_272[%parallel_loop3A_273, %parallel_loop3A_274] {strides = array<i32>} : memref<128x64xf32, #tpu.memory_space<vmem>>, vector<16xf32>,
        %parallel_loop3A_276 = arith.index_cast %parallel_loop3A_248 : i32 to index
        %parallel_loop3A_277 = arith.constant 32 : index
        %parallel_loop3A_278 = tpu.vector_load %arg8[%parallel_loop3A_276, %parallel_loop3A_277] {strides = array<i32>} : memref<128x65xf32, #tpu.memory_space<vmem>>, vector<16xf32>,
        tpu.vector_store %arg8[%parallel_loop3A_276, %parallel_loop3A_277], %parallel_loop3A_275 {strides = array<i32>} : memref<128x65xf32, #tpu.memory_space<vmem>>, vector<16xf32>,
        %parallel_loop3A_279 = arith.constant 0 : i32
        %parallel_loop3A_280 = arith.constant 0 : i32
        %parallel_loop3A_281 = tpu.memref_slice %arg7[%rem3A_199, %parallel_loop3A_279, %parallel_loop3A_280] : memref<4x128x64xf32, #tpu.memory_space<vmem>> -> memref<1x128x64xf32, #tpu.memory_space<vmem>>
        %parallel_loop3A_282 = tpu.memref_squeeze %parallel_loop3A_281 : memref<1x128x64xf32, #tpu.memory_space<vmem>> -> memref<128x64xf32, #tpu.memory_space<vmem>>
        %parallel_loop3A_283 = arith.index_cast %parallel_loop3A_248 : i32 to index
        %parallel_loop3A_284 = arith.constant 48 : index
        %parallel_loop3A_285 = tpu.vector_load %parallel_loop3A_282[%parallel_loop3A_283, %parallel_loop3A_284] {strides = array<i32>} : memref<128x64xf32, #tpu.memory_space<vmem>>, vector<16xf32>,
        %parallel_loop3A_286 = arith.index_cast %parallel_loop3A_248 : i32 to index
        %parallel_loop3A_287 = arith.constant 48 : index
        %parallel_loop3A_288 = tpu.vector_load %arg8[%parallel_loop3A_286, %parallel_loop3A_287] {strides = array<i32>} : memref<128x65xf32, #tpu.memory_space<vmem>>, vector<16xf32>,
        tpu.vector_store %arg8[%parallel_loop3A_286, %parallel_loop3A_287], %parallel_loop3A_285 {strides = array<i32>} : memref<128x65xf32, #tpu.memory_space<vmem>>, vector<16xf32>,
      } {sc.loop_unroll_factor = 4 : i64, sc.parallel_access}
      %parallel_loop3A_217 = arith.constant 0 : i32
      %parallel_loop3A_218 = arith.constant 64 : i32
      %parallel_loop3A_219 = arith.constant 1 : i32
      scf.for %parallel_loop3A_248 = %parallel_loop3A_217 to %parallel_loop3A_218 step %parallel_loop3A_219  : i32 {
        %parallel_loop3A_249 = vector.broadcast %parallel_loop3A_248 : i32 to vector<16xi32>
        %parallel_loop3A_250 = arith.addi %mul3A_29, %parallel_loop3A_249 : vector<16xi32>
        %parallel_loop3A_251 = arith.constant 8 : i32
        %parallel_loop3A_252 = arith.divsi %parallel_loop3A_248, %parallel_loop3A_251 : i32
        %parallel_loop3A_253 = arith.constant 8 : i32
        %parallel_loop3A_254 = arith.remsi %parallel_loop3A_248, %parallel_loop3A_253 : i32
        %parallel_loop3A_255 = tpu.vector_load_idx %arg8[%add3A_5, %parallel_loop3A_250] : memref<128x65xf32, #tpu.memory_space<vmem>>[vector<16xi32>, vector<16xi32>], vector<16xf32>,
        %parallel_loop3A_256 = arith.constant 0 : i32
        %parallel_loop3A_257 = arith.constant 0 : i32
        %parallel_loop3A_258 = arith.constant 0 : i32
        %parallel_loop3A_259 = tpu.memref_slice %arg9[%rem3A_199, %parallel_loop3A_256, %parallel_loop3A_257, %parallel_loop3A_258] : memref<4x8x8x128xf32, #tpu.memory_space<vmem>> -> memref<1x8x8x128xf32, #tpu.memory_space<vmem>>
        %parallel_loop3A_260 = tpu.memref_squeeze %parallel_loop3A_259 : memref<1x8x8x128xf32, #tpu.memory_space<vmem>> -> memref<8x8x128xf32, #tpu.memory_space<vmem>>
        %parallel_loop3A_261 = arith.index_cast %parallel_loop3A_252 : i32 to index
        %parallel_loop3A_262 = arith.index_cast %parallel_loop3A_254 : i32 to index
        %parallel_loop3A_263 = arith.constant 0 : index
        %parallel_loop3A_264 = tpu.vector_load %parallel_loop3A_260[%parallel_loop3A_261, %parallel_loop3A_262, %parallel_loop3A_263] {strides = array<i32>} : memref<8x8x128xf32, #tpu.memory_space<vmem>>, vector<16xf32>,
        tpu.vector_store %parallel_loop3A_260[%parallel_loop3A_261, %parallel_loop3A_262, %parallel_loop3A_263], %parallel_loop3A_255 {strides = array<i32>} : memref<8x8x128xf32, #tpu.memory_space<vmem>>, vector<16xf32>,
        %parallel_loop3A_265 = tpu.vector_load_idx %arg8[%add3A_8, %parallel_loop3A_250] : memref<128x65xf32, #tpu.memory_space<vmem>>[vector<16xi32>, vector<16xi32>], vector<16xf32>,
        %parallel_loop3A_266 = arith.constant 0 : i32
        %parallel_loop3A_267 = arith.constant 0 : i32
        %parallel_loop3A_268 = arith.constant 0 : i32
        %parallel_loop3A_269 = tpu.memref_slice %arg9[%rem3A_199, %parallel_loop3A_266, %parallel_loop3A_267, %parallel_loop3A_268] : memref<4x8x8x128xf32, #tpu.memory_space<vmem>> -> memref<1x8x8x128xf32, #tpu.memory_space<vmem>>
        %parallel_loop3A_270 = tpu.memref_squeeze %parallel_loop3A_269 : memref<1x8x8x128xf32, #tpu.memory_space<vmem>> -> memref<8x8x128xf32, #tpu.memory_space<vmem>>
        %parallel_loop3A_271 = arith.index_cast %parallel_loop3A_252 : i32 to index
        %parallel_loop3A_272 = arith.index_cast %parallel_loop3A_254 : i32 to index
        %parallel_loop3A_273 = arith.constant 16 : index
        %parallel_loop3A_274 = tpu.vector_load %parallel_loop3A_270[%parallel_loop3A_271, %parallel_loop3A_272, %parallel_loop3A_273] {strides = array<i32>} : memref<8x8x128xf32, #tpu.memory_space<vmem>>, vector<16xf32>,
        tpu.vector_store %parallel_loop3A_270[%parallel_loop3A_271, %parallel_loop3A_272, %parallel_loop3A_273], %parallel_loop3A_265 {strides = array<i32>} : memref<8x8x128xf32, #tpu.memory_space<vmem>>, vector<16xf32>,
        %parallel_loop3A_275 = tpu.vector_load_idx %arg8[%add3A_11, %parallel_loop3A_250] : memref<128x65xf32, #tpu.memory_space<vmem>>[vector<16xi32>, vector<16xi32>], vector<16xf32>,
        %parallel_loop3A_276 = arith.constant 0 : i32
        %parallel_loop3A_277 = arith.constant 0 : i32
        %parallel_loop3A_278 = arith.constant 0 : i32
        %parallel_loop3A_279 = tpu.memref_slice %arg9[%rem3A_199, %parallel_loop3A_276, %parallel_loop3A_277, %parallel_loop3A_278] : memref<4x8x8x128xf32, #tpu.memory_space<vmem>> -> memref<1x8x8x128xf32, #tpu.memory_space<vmem>>
        %parallel_loop3A_280 = tpu.memref_squeeze %parallel_loop3A_279 : memref<1x8x8x128xf32, #tpu.memory_space<vmem>> -> memref<8x8x128xf32, #tpu.memory_space<vmem>>
        %parallel_loop3A_281 = arith.index_cast %parallel_loop3A_252 : i32 to index
        %parallel_loop3A_282 = arith.index_cast %parallel_loop3A_254 : i32 to index
        %parallel_loop3A_283 = arith.constant 32 : index
        %parallel_loop3A_284 = tpu.vector_load %parallel_loop3A_280[%parallel_loop3A_281, %parallel_loop3A_282, %parallel_loop3A_283] {strides = array<i32>} : memref<8x8x128xf32, #tpu.memory_space<vmem>>, vector<16xf32>,
        tpu.vector_store %parallel_loop3A_280[%parallel_loop3A_281, %parallel_loop3A_282, %parallel_loop3A_283], %parallel_loop3A_275 {strides = array<i32>} : memref<8x8x128xf32, #tpu.memory_space<vmem>>, vector<16xf32>,
        %parallel_loop3A_285 = tpu.vector_load_idx %arg8[%add3A_14, %parallel_loop3A_250] : memref<128x65xf32, #tpu.memory_space<vmem>>[vector<16xi32>, vector<16xi32>], vector<16xf32>,
        %parallel_loop3A_286 = arith.constant 0 : i32
        %parallel_loop3A_287 = arith.constant 0 : i32
        %parallel_loop3A_288 = arith.constant 0 : i32
        %parallel_loop3A_289 = tpu.memref_slice %arg9[%rem3A_199, %parallel_loop3A_286, %parallel_loop3A_287, %parallel_loop3A_288] : memref<4x8x8x128xf32, #tpu.memory_space<vmem>> -> memref<1x8x8x128xf32, #tpu.memory_space<vmem>>
        %parallel_loop3A_290 = tpu.memref_squeeze %parallel_loop3A_289 : memref<1x8x8x128xf32, #tpu.memory_space<vmem>> -> memref<8x8x128xf32, #tpu.memory_space<vmem>>
        %parallel_loop3A_291 = arith.index_cast %parallel_loop3A_252 : i32 to index
        %parallel_loop3A_292 = arith.index_cast %parallel_loop3A_254 : i32 to index
        %parallel_loop3A_293 = arith.constant 48 : index
        %parallel_loop3A_294 = tpu.vector_load %parallel_loop3A_290[%parallel_loop3A_291, %parallel_loop3A_292, %parallel_loop3A_293] {strides = array<i32>} : memref<8x8x128xf32, #tpu.memory_space<vmem>>, vector<16xf32>,
        tpu.vector_store %parallel_loop3A_290[%parallel_loop3A_291, %parallel_loop3A_292, %parallel_loop3A_293], %parallel_loop3A_285 {strides = array<i32>} : memref<8x8x128xf32, #tpu.memory_space<vmem>>, vector<16xf32>,
        %parallel_loop3A_295 = tpu.vector_load_idx %arg8[%add3A_17, %parallel_loop3A_250] : memref<128x65xf32, #tpu.memory_space<vmem>>[vector<16xi32>, vector<16xi32>], vector<16xf32>,
        %parallel_loop3A_296 = arith.constant 0 : i32
        %parallel_loop3A_297 = arith.constant 0 : i32
        %parallel_loop3A_298 = arith.constant 0 : i32
        %parallel_loop3A_299 = tpu.memref_slice %arg9[%rem3A_199, %parallel_loop3A_296, %parallel_loop3A_297, %parallel_loop3A_298] : memref<4x8x8x128xf32, #tpu.memory_space<vmem>> -> memref<1x8x8x128xf32, #tpu.memory_space<vmem>>
        %parallel_loop3A_300 = tpu.memref_squeeze %parallel_loop3A_299 : memref<1x8x8x128xf32, #tpu.memory_space<vmem>> -> memref<8x8x128xf32, #tpu.memory_space<vmem>>
        %parallel_loop3A_301 = arith.index_cast %parallel_loop3A_252 : i32 to index
        %parallel_loop3A_302 = arith.index_cast %parallel_loop3A_254 : i32 to index
        %parallel_loop3A_303 = arith.constant 64 : index
        %parallel_loop3A_304 = tpu.vector_load %parallel_loop3A_300[%parallel_loop3A_301, %parallel_loop3A_302, %parallel_loop3A_303] {strides = array<i32>} : memref<8x8x128xf32, #tpu.memory_space<vmem>>, vector<16xf32>,
        tpu.vector_store %parallel_loop3A_300[%parallel_loop3A_301, %parallel_loop3A_302, %parallel_loop3A_303], %parallel_loop3A_295 {strides = array<i32>} : memref<8x8x128xf32, #tpu.memory_space<vmem>>, vector<16xf32>,
        %parallel_loop3A_305 = tpu.vector_load_idx %arg8[%add3A_20, %parallel_loop3A_250] : memref<128x65xf32, #tpu.memory_space<vmem>>[vector<16xi32>, vector<16xi32>], vector<16xf32>,
        %parallel_loop3A_306 = arith.constant 0 : i32
        %parallel_loop3A_307 = arith.constant 0 : i32
        %parallel_loop3A_308 = arith.constant 0 : i32
        %parallel_loop3A_309 = tpu.memref_slice %arg9[%rem3A_199, %parallel_loop3A_306, %parallel_loop3A_307, %parallel_loop3A_308] : memref<4x8x8x128xf32, #tpu.memory_space<vmem>> -> memref<1x8x8x128xf32, #tpu.memory_space<vmem>>
        %parallel_loop3A_310 = tpu.memref_squeeze %parallel_loop3A_309 : memref<1x8x8x128xf32, #tpu.memory_space<vmem>> -> memref<8x8x128xf32, #tpu.memory_space<vmem>>
        %parallel_loop3A_311 = arith.index_cast %parallel_loop3A_252 : i32 to index
        %parallel_loop3A_312 = arith.index_cast %parallel_loop3A_254 : i32 to index
        %parallel_loop3A_313 = arith.constant 80 : index
        %parallel_loop3A_314 = tpu.vector_load %parallel_loop3A_310[%parallel_loop3A_311, %parallel_loop3A_312, %parallel_loop3A_313] {strides = array<i32>} : memref<8x8x128xf32, #tpu.memory_space<vmem>>, vector<16xf32>,
        tpu.vector_store %parallel_loop3A_310[%parallel_loop3A_311, %parallel_loop3A_312, %parallel_loop3A_313], %parallel_loop3A_305 {strides = array<i32>} : memref<8x8x128xf32, #tpu.memory_space<vmem>>, vector<16xf32>,
        %parallel_loop3A_315 = tpu.vector_load_idx %arg8[%add3A_23, %parallel_loop3A_250] : memref<128x65xf32, #tpu.memory_space<vmem>>[vector<16xi32>, vector<16xi32>], vector<16xf32>,
        %parallel_loop3A_316 = arith.constant 0 : i32
        %parallel_loop3A_317 = arith.constant 0 : i32
        %parallel_loop3A_318 = arith.constant 0 : i32
        %parallel_loop3A_319 = tpu.memref_slice %arg9[%rem3A_199, %parallel_loop3A_316, %parallel_loop3A_317, %parallel_loop3A_318] : memref<4x8x8x128xf32, #tpu.memory_space<vmem>> -> memref<1x8x8x128xf32, #tpu.memory_space<vmem>>
        %parallel_loop3A_320 = tpu.memref_squeeze %parallel_loop3A_319 : memref<1x8x8x128xf32, #tpu.memory_space<vmem>> -> memref<8x8x128xf32, #tpu.memory_space<vmem>>
        %parallel_loop3A_321 = arith.index_cast %parallel_loop3A_252 : i32 to index
        %parallel_loop3A_322 = arith.index_cast %parallel_loop3A_254 : i32 to index
        %parallel_loop3A_323 = arith.constant 96 : index
        %parallel_loop3A_324 = tpu.vector_load %parallel_loop3A_320[%parallel_loop3A_321, %parallel_loop3A_322, %parallel_loop3A_323] {strides = array<i32>} : memref<8x8x128xf32, #tpu.memory_space<vmem>>, vector<16xf32>,
        tpu.vector_store %parallel_loop3A_320[%parallel_loop3A_321, %parallel_loop3A_322, %parallel_loop3A_323], %parallel_loop3A_315 {strides = array<i32>} : memref<8x8x128xf32, #tpu.memory_space<vmem>>, vector<16xf32>,
        %parallel_loop3A_325 = tpu.vector_load_idx %arg8[%add3A_26, %parallel_loop3A_250] : memref<128x65xf32, #tpu.memory_space<vmem>>[vector<16xi32>, vector<16xi32>], vector<16xf32>,
        %parallel_loop3A_326 = arith.constant 0 : i32
        %parallel_loop3A_327 = arith.constant 0 : i32
        %parallel_loop3A_328 = arith.constant 0 : i32
        %parallel_loop3A_329 = tpu.memref_slice %arg9[%rem3A_199, %parallel_loop3A_326, %parallel_loop3A_327, %parallel_loop3A_328] : memref<4x8x8x128xf32, #tpu.memory_space<vmem>> -> memref<1x8x8x128xf32, #tpu.memory_space<vmem>>
        %parallel_loop3A_330 = tpu.memref_squeeze %parallel_loop3A_329 : memref<1x8x8x128xf32, #tpu.memory_space<vmem>> -> memref<8x8x128xf32, #tpu.memory_space<vmem>>
        %parallel_loop3A_331 = arith.index_cast %parallel_loop3A_252 : i32 to index
        %parallel_loop3A_332 = arith.index_cast %parallel_loop3A_254 : i32 to index
        %parallel_loop3A_333 = arith.constant 112 : index
        %parallel_loop3A_334 = tpu.vector_load %parallel_loop3A_330[%parallel_loop3A_331, %parallel_loop3A_332, %parallel_loop3A_333] {strides = array<i32>} : memref<8x8x128xf32, #tpu.memory_space<vmem>>, vector<16xf32>,
        tpu.vector_store %parallel_loop3A_330[%parallel_loop3A_331, %parallel_loop3A_332, %parallel_loop3A_333], %parallel_loop3A_325 {strides = array<i32>} : memref<8x8x128xf32, #tpu.memory_space<vmem>>, vector<16xf32>,
      } {sc.loop_unroll_factor = 4 : i64, sc.parallel_access}
      %dma_start3A_220 = arith.constant 0 : i32
      %dma_start3A_221 = arith.constant 0 : i32
      %dma_start3A_222 = arith.constant 0 : i32
      %dma_start3A_223 = tpu.memref_slice %arg9[%rem3A_199, %dma_start3A_220, %dma_start3A_221, %dma_start3A_222] : memref<4x8x8x128xf32, #tpu.memory_space<vmem>> -> memref<1x8x8x128xf32, #tpu.memory_space<vmem>>
      %dma_start3A_224 = tpu.memref_squeeze %dma_start3A_223 : memref<1x8x8x128xf32, #tpu.memory_space<vmem>> -> memref<8x8x128xf32, #tpu.memory_space<vmem>>
      %dma_start3A_225 = arith.constant 0 : i32
      %dma_start3A_226 = arith.constant 0 : i32
      %dma_start3A_227 = arith.constant 0 : i32
      %dma_start3A_228 = tpu.memref_slice %arg4[%add3A_198, %dma_start3A_225, %add3A, %dma_start3A_226, %dma_start3A_227] : memref<200x8x32x8x128xf32, #tpu.memory_space<hbm>> -> memref<1x8x1x8x128xf32, #tpu.memory_space<hbm>>
      %dma_start3A_229 = tpu.memref_squeeze %dma_start3A_228 : memref<1x8x1x8x128xf32, #tpu.memory_space<hbm>> -> memref<8x8x128xf32, #tpu.memory_space<hbm>>
      %dma_start3A_230 = tpu.memref_slice %arg11[%rem3A_199] : memref<4x!tpu.dma_semaphore, #tpu.memory_space<semaphore_mem>> -> memref<1x!tpu.dma_semaphore, #tpu.memory_space<semaphore_mem>>
      %dma_start3A_231 = tpu.memref_squeeze %dma_start3A_230 : memref<1x!tpu.dma_semaphore, #tpu.memory_space<semaphore_mem>> -> memref<!tpu.dma_semaphore, #tpu.memory_space<semaphore_mem>>
      %dma_start3A_232 = arith.constant 0 : i32
      %dma_start3A_233 = arith.constant 0 : i32
      %dma_start3A_234 = arith.constant 0 : i32
      %dma_start3A_235 = tpu.memref_slice %arg4[%add3A_198, %dma_start3A_232, %add3A, %dma_start3A_233, %dma_start3A_234] : memref<200x8x32x8x128xf32, #tpu.memory_space<hbm>> -> memref<1x8x1x8x128xf32, #tpu.memory_space<hbm>>
      %dma_start3A_236 = tpu.memref_squeeze %dma_start3A_235 : memref<1x8x1x8x128xf32, #tpu.memory_space<hbm>> -> memref<8x8x128xf32, #tpu.memory_space<hbm>>
      %dma_start3A_237 = arith.constant 0 : i32
      %dma_start3A_238 = arith.constant 0 : i32
      %dma_start3A_239 = arith.constant 0 : i32
      %dma_start3A_240 = tpu.memref_slice %arg9[%rem3A_199, %dma_start3A_237, %dma_start3A_238, %dma_start3A_239] : memref<4x8x8x128xf32, #tpu.memory_space<vmem>> -> memref<1x8x8x128xf32, #tpu.memory_space<vmem>>
      %dma_start3A_241 = tpu.memref_squeeze %dma_start3A_240 : memref<1x8x8x128xf32, #tpu.memory_space<vmem>> -> memref<8x8x128xf32, #tpu.memory_space<vmem>>
      tpu.enqueue_dma source(%dma_start3A_241 : memref<8x8x128xf32, #tpu.memory_space<vmem>>) target(%dma_start3A_236 : memref<8x8x128xf32, #tpu.memory_space<hbm>>) target_semaphore(%dma_start3A_231 : memref<!tpu.dma_semaphore, #tpu.memory_space<semaphore_mem>>)
      %add3A_242 = arith.constant 4 : i32
      %add3A_243 = arith.addi %add3A_198, %add3A_242 : i32
      %lt3A = arith.constant 200 : i32
      %lt3A_244 = arith.cmpi slt, %add3A_243, %lt3A : i32
      %convert_element_type3A_245 = arith.extui %lt3A_244 : i1 to i32
      %cond3A_246 = arith.constant 0 : i32
      %cond3A_247 = arith.cmpi ne, %convert_element_type3A_245, %cond3A_246 : i32
      scf.if %cond3A_247 {
        %add3A_248 = arith.constant 4 : i32
        %add3A_249 = arith.addi %add3A_198, %add3A_248 : i32
        %dma_start3A_250 = arith.constant 0 : i32
        %dma_start3A_251 = arith.constant 0 : i32
        %dma_start3A_252 = tpu.memref_slice %arg7[%rem3A_199, %dma_start3A_250, %dma_start3A_251] : memref<4x128x64xf32, #tpu.memory_space<vmem>> -> memref<1x128x64xf32, #tpu.memory_space<vmem>>
        %dma_start3A_253 = tpu.memref_squeeze %dma_start3A_252 : memref<1x128x64xf32, #tpu.memory_space<vmem>> -> memref<128x64xf32, #tpu.memory_space<vmem>>
        %dma_start3A_254 = arith.constant 0 : i32
        %dma_start3A_255 = tpu.memref_slice %arg6[%add3A_249, %dma_start3A_254] : memref<200x128xi32, #tpu.memory_space<vmem>> -> memref<1x128xi32, #tpu.memory_space<vmem>>
        %dma_start3A_256 = tpu.memref_squeeze %dma_start3A_255 : memref<1x128xi32, #tpu.memory_space<vmem>> -> memref<128xi32, #tpu.memory_space<vmem>>
        %dma_start3A_257 = arith.constant 0 : i32
        %dma_start3A_258 = arith.constant 0 : i32
        %dma_start3A_259 = tpu.memref_slice %arg3[%dma_start3A_257, %dma_start3A_258] : memref<100000x64xf32, #tpu.memory_space<hbm>> -> memref<100000x64xf32, #tpu.memory_space<hbm>>
        %dma_start3A_260 = tpu.memref_slice %arg10[%rem3A_199] : memref<4x!tpu.dma_semaphore, #tpu.memory_space<semaphore_mem>> -> memref<1x!tpu.dma_semaphore, #tpu.memory_space<semaphore_mem>>
        %dma_start3A_261 = tpu.memref_squeeze %dma_start3A_260 : memref<1x!tpu.dma_semaphore, #tpu.memory_space<semaphore_mem>> -> memref<!tpu.dma_semaphore, #tpu.memory_space<semaphore_mem>>
        tpu.enqueue_indirect_dma source(%dma_start3A_259 : memref<100000x64xf32, #tpu.memory_space<hbm>>) target(%dma_start3A_253 : memref<128x64xf32, #tpu.memory_space<vmem>>) offsets(%dma_start3A_256 : memref<128xi32, #tpu.memory_space<vmem>>) semaphore(%dma_start3A_261 : memref<!tpu.dma_semaphore, #tpu.memory_space<semaphore_mem>>)
      } else {
      }
    }
    %scan3A_94 = arith.constant 200 : i32
    %dma_wait3A = arith.constant 0 : i32
    %dma_wait3A_95 = arith.constant 196 : i32
    %dma_wait3A_96 = arith.constant 0 : i32
    %dma_wait3A_97 = arith.constant 0 : i32
    %dma_wait3A_98 = arith.constant 0 : i32
    %dma_wait3A_99 = arith.constant 0 : i32
    %dma_wait3A_100 = tpu.memref_slice %arg9[%dma_wait3A, %dma_wait3A_97, %dma_wait3A_98, %dma_wait3A_99] : memref<4x8x8x128xf32, #tpu.memory_space<vmem>> -> memref<1x8x8x128xf32, #tpu.memory_space<vmem>>
    %dma_wait3A_101 = tpu.memref_squeeze %dma_wait3A_100 : memref<1x8x8x128xf32, #tpu.memory_space<vmem>> -> memref<8x8x128xf32, #tpu.memory_space<vmem>>
    %dma_wait3A_102 = arith.constant 0 : i32
    %dma_wait3A_103 = arith.constant 0 : i32
    %dma_wait3A_104 = arith.constant 0 : i32
    %dma_wait3A_105 = tpu.memref_slice %arg4[%dma_wait3A_95, %dma_wait3A_102, %add3A, %dma_wait3A_103, %dma_wait3A_104] : memref<200x8x32x8x128xf32, #tpu.memory_space<hbm>> -> memref<1x8x1x8x128xf32, #tpu.memory_space<hbm>>
    %dma_wait3A_106 = tpu.memref_squeeze %dma_wait3A_105 : memref<1x8x1x8x128xf32, #tpu.memory_space<hbm>> -> memref<8x8x128xf32, #tpu.memory_space<hbm>>
    %dma_wait3A_107 = tpu.memref_slice %arg11[%dma_wait3A_96] : memref<4x!tpu.dma_semaphore, #tpu.memory_space<semaphore_mem>> -> memref<1x!tpu.dma_semaphore, #tpu.memory_space<semaphore_mem>>
    %dma_wait3A_108 = tpu.memref_squeeze %dma_wait3A_107 : memref<1x!tpu.dma_semaphore, #tpu.memory_space<semaphore_mem>> -> memref<!tpu.dma_semaphore, #tpu.memory_space<semaphore_mem>>
    %dma_wait3A_109 = arith.constant 0 : i32
    %dma_wait3A_110 = arith.constant 0 : i32
    %dma_wait3A_111 = arith.constant 0 : i32
    %dma_wait3A_112 = tpu.memref_slice %arg4[%dma_wait3A_95, %dma_wait3A_109, %add3A, %dma_wait3A_110, %dma_wait3A_111] : memref<200x8x32x8x128xf32, #tpu.memory_space<hbm>> -> memref<1x8x1x8x128xf32, #tpu.memory_space<hbm>>
    %dma_wait3A_113 = tpu.memref_squeeze %dma_wait3A_112 : memref<1x8x1x8x128xf32, #tpu.memory_space<hbm>> -> memref<8x8x128xf32, #tpu.memory_space<hbm>>
    %dma_wait3A_114 = arith.constant 0 : i32
    %dma_wait3A_115 = arith.constant 0 : i32
    %dma_wait3A_116 = arith.constant 0 : i32
    %dma_wait3A_117 = tpu.memref_slice %arg9[%dma_wait3A, %dma_wait3A_114, %dma_wait3A_115, %dma_wait3A_116] : memref<4x8x8x128xf32, #tpu.memory_space<vmem>> -> memref<1x8x8x128xf32, #tpu.memory_space<vmem>>
    %dma_wait3A_118 = tpu.memref_squeeze %dma_wait3A_117 : memref<1x8x8x128xf32, #tpu.memory_space<vmem>> -> memref<8x8x128xf32, #tpu.memory_space<vmem>>
    tpu.wait_dma2 semaphore(%dma_wait3A_108 : memref<!tpu.dma_semaphore, #tpu.memory_space<semaphore_mem>>) src(%dma_wait3A_118 : memref<8x8x128xf32, #tpu.memory_space<vmem>>) dst(%dma_wait3A_113 : memref<8x8x128xf32, #tpu.memory_space<hbm>>)
    %dma_wait3A_119 = arith.constant 1 : i32
    %dma_wait3A_120 = arith.constant 197 : i32
    %dma_wait3A_121 = arith.constant 1 : i32
    %dma_wait3A_122 = arith.constant 0 : i32
    %dma_wait3A_123 = arith.constant 0 : i32
    %dma_wait3A_124 = arith.constant 0 : i32
    %dma_wait3A_125 = tpu.memref_slice %arg9[%dma_wait3A_119, %dma_wait3A_122, %dma_wait3A_123, %dma_wait3A_124] : memref<4x8x8x128xf32, #tpu.memory_space<vmem>> -> memref<1x8x8x128xf32, #tpu.memory_space<vmem>>
    %dma_wait3A_126 = tpu.memref_squeeze %dma_wait3A_125 : memref<1x8x8x128xf32, #tpu.memory_space<vmem>> -> memref<8x8x128xf32, #tpu.memory_space<vmem>>
    %dma_wait3A_127 = arith.constant 0 : i32
    %dma_wait3A_128 = arith.constant 0 : i32
    %dma_wait3A_129 = arith.constant 0 : i32
    %dma_wait3A_130 = tpu.memref_slice %arg4[%dma_wait3A_120, %dma_wait3A_127, %add3A, %dma_wait3A_128, %dma_wait3A_129] : memref<200x8x32x8x128xf32, #tpu.memory_space<hbm>> -> memref<1x8x1x8x128xf32, #tpu.memory_space<hbm>>
    %dma_wait3A_131 = tpu.memref_squeeze %dma_wait3A_130 : memref<1x8x1x8x128xf32, #tpu.memory_space<hbm>> -> memref<8x8x128xf32, #tpu.memory_space<hbm>>
    %dma_wait3A_132 = tpu.memref_slice %arg11[%dma_wait3A_121] : memref<4x!tpu.dma_semaphore, #tpu.memory_space<semaphore_mem>> -> memref<1x!tpu.dma_semaphore, #tpu.memory_space<semaphore_mem>>
    %dma_wait3A_133 = tpu.memref_squeeze %dma_wait3A_132 : memref<1x!tpu.dma_semaphore, #tpu.memory_space<semaphore_mem>> -> memref<!tpu.dma_semaphore, #tpu.memory_space<semaphore_mem>>
    %dma_wait3A_134 = arith.constant 0 : i32
    %dma_wait3A_135 = arith.constant 0 : i32
    %dma_wait3A_136 = arith.constant 0 : i32
    %dma_wait3A_137 = tpu.memref_slice %arg4[%dma_wait3A_120, %dma_wait3A_134, %add3A, %dma_wait3A_135, %dma_wait3A_136] : memref<200x8x32x8x128xf32, #tpu.memory_space<hbm>> -> memref<1x8x1x8x128xf32, #tpu.memory_space<hbm>>
    %dma_wait3A_138 = tpu.memref_squeeze %dma_wait3A_137 : memref<1x8x1x8x128xf32, #tpu.memory_space<hbm>> -> memref<8x8x128xf32, #tpu.memory_space<hbm>>
    %dma_wait3A_139 = arith.constant 0 : i32
    %dma_wait3A_140 = arith.constant 0 : i32
    %dma_wait3A_141 = arith.constant 0 : i32
    %dma_wait3A_142 = tpu.memref_slice %arg9[%dma_wait3A_119, %dma_wait3A_139, %dma_wait3A_140, %dma_wait3A_141] : memref<4x8x8x128xf32, #tpu.memory_space<vmem>> -> memref<1x8x8x128xf32, #tpu.memory_space<vmem>>
    %dma_wait3A_143 = tpu.memref_squeeze %dma_wait3A_142 : memref<1x8x8x128xf32, #tpu.memory_space<vmem>> -> memref<8x8x128xf32, #tpu.memory_space<vmem>>
    tpu.wait_dma2 semaphore(%dma_wait3A_133 : memref<!tpu.dma_semaphore, #tpu.memory_space<semaphore_mem>>) src(%dma_wait3A_143 : memref<8x8x128xf32, #tpu.memory_space<vmem>>) dst(%dma_wait3A_138 : memref<8x8x128xf32, #tpu.memory_space<hbm>>)
    %dma_wait3A_144 = arith.constant 2 : i32
    %dma_wait3A_145 = arith.constant 198 : i32
    %dma_wait3A_146 = arith.constant 2 : i32
    %dma_wait3A_147 = arith.constant 0 : i32
    %dma_wait3A_148 = arith.constant 0 : i32
    %dma_wait3A_149 = arith.constant 0 : i32
    %dma_wait3A_150 = tpu.memref_slice %arg9[%dma_wait3A_144, %dma_wait3A_147, %dma_wait3A_148, %dma_wait3A_149] : memref<4x8x8x128xf32, #tpu.memory_space<vmem>> -> memref<1x8x8x128xf32, #tpu.memory_space<vmem>>
    %dma_wait3A_151 = tpu.memref_squeeze %dma_wait3A_150 : memref<1x8x8x128xf32, #tpu.memory_space<vmem>> -> memref<8x8x128xf32, #tpu.memory_space<vmem>>
    %dma_wait3A_152 = arith.constant 0 : i32
    %dma_wait3A_153 = arith.constant 0 : i32
    %dma_wait3A_154 = arith.constant 0 : i32
    %dma_wait3A_155 = tpu.memref_slice %arg4[%dma_wait3A_145, %dma_wait3A_152, %add3A, %dma_wait3A_153, %dma_wait3A_154] : memref<200x8x32x8x128xf32, #tpu.memory_space<hbm>> -> memref<1x8x1x8x128xf32, #tpu.memory_space<hbm>>
    %dma_wait3A_156 = tpu.memref_squeeze %dma_wait3A_155 : memref<1x8x1x8x128xf32, #tpu.memory_space<hbm>> -> memref<8x8x128xf32, #tpu.memory_space<hbm>>
    %dma_wait3A_157 = tpu.memref_slice %arg11[%dma_wait3A_146] : memref<4x!tpu.dma_semaphore, #tpu.memory_space<semaphore_mem>> -> memref<1x!tpu.dma_semaphore, #tpu.memory_space<semaphore_mem>>
    %dma_wait3A_158 = tpu.memref_squeeze %dma_wait3A_157 : memref<1x!tpu.dma_semaphore, #tpu.memory_space<semaphore_mem>> -> memref<!tpu.dma_semaphore, #tpu.memory_space<semaphore_mem>>
    %dma_wait3A_159 = arith.constant 0 : i32
    %dma_wait3A_160 = arith.constant 0 : i32
    %dma_wait3A_161 = arith.constant 0 : i32
    %dma_wait3A_162 = tpu.memref_slice %arg4[%dma_wait3A_145, %dma_wait3A_159, %add3A, %dma_wait3A_160, %dma_wait3A_161] : memref<200x8x32x8x128xf32, #tpu.memory_space<hbm>> -> memref<1x8x1x8x128xf32, #tpu.memory_space<hbm>>
    %dma_wait3A_163 = tpu.memref_squeeze %dma_wait3A_162 : memref<1x8x1x8x128xf32, #tpu.memory_space<hbm>> -> memref<8x8x128xf32, #tpu.memory_space<hbm>>
    %dma_wait3A_164 = arith.constant 0 : i32
    %dma_wait3A_165 = arith.constant 0 : i32
    %dma_wait3A_166 = arith.constant 0 : i32
    %dma_wait3A_167 = tpu.memref_slice %arg9[%dma_wait3A_144, %dma_wait3A_164, %dma_wait3A_165, %dma_wait3A_166] : memref<4x8x8x128xf32, #tpu.memory_space<vmem>> -> memref<1x8x8x128xf32, #tpu.memory_space<vmem>>
    %dma_wait3A_168 = tpu.memref_squeeze %dma_wait3A_167 : memref<1x8x8x128xf32, #tpu.memory_space<vmem>> -> memref<8x8x128xf32, #tpu.memory_space<vmem>>
    tpu.wait_dma2 semaphore(%dma_wait3A_158 : memref<!tpu.dma_semaphore, #tpu.memory_space<semaphore_mem>>) src(%dma_wait3A_168 : memref<8x8x128xf32, #tpu.memory_space<vmem>>) dst(%dma_wait3A_163 : memref<8x8x128xf32, #tpu.memory_space<hbm>>)
    %dma_wait3A_169 = arith.constant 3 : i32
    %dma_wait3A_170 = arith.constant 199 : i32
    %dma_wait3A_171 = arith.constant 3 : i32
    %dma_wait3A_172 = arith.constant 0 : i32
    %dma_wait3A_173 = arith.constant 0 : i32
    %dma_wait3A_174 = arith.constant 0 : i32
    %dma_wait3A_175 = tpu.memref_slice %arg9[%dma_wait3A_169, %dma_wait3A_172, %dma_wait3A_173, %dma_wait3A_174] : memref<4x8x8x128xf32, #tpu.memory_space<vmem>> -> memref<1x8x8x128xf32, #tpu.memory_space<vmem>>
    %dma_wait3A_176 = tpu.memref_squeeze %dma_wait3A_175 : memref<1x8x8x128xf32, #tpu.memory_space<vmem>> -> memref<8x8x128xf32, #tpu.memory_space<vmem>>
    %dma_wait3A_177 = arith.constant 0 : i32
    %dma_wait3A_178 = arith.constant 0 : i32
    %dma_wait3A_179 = arith.constant 0 : i32
    %dma_wait3A_180 = tpu.memref_slice %arg4[%dma_wait3A_170, %dma_wait3A_177, %add3A, %dma_wait3A_178, %dma_wait3A_179] : memref<200x8x32x8x128xf32, #tpu.memory_space<hbm>> -> memref<1x8x1x8x128xf32, #tpu.memory_space<hbm>>
    %dma_wait3A_181 = tpu.memref_squeeze %dma_wait3A_180 : memref<1x8x1x8x128xf32, #tpu.memory_space<hbm>> -> memref<8x8x128xf32, #tpu.memory_space<hbm>>
    %dma_wait3A_182 = tpu.memref_slice %arg11[%dma_wait3A_171] : memref<4x!tpu.dma_semaphore, #tpu.memory_space<semaphore_mem>> -> memref<1x!tpu.dma_semaphore, #tpu.memory_space<semaphore_mem>>
    %dma_wait3A_183 = tpu.memref_squeeze %dma_wait3A_182 : memref<1x!tpu.dma_semaphore, #tpu.memory_space<semaphore_mem>> -> memref<!tpu.dma_semaphore, #tpu.memory_space<semaphore_mem>>
    %dma_wait3A_184 = arith.constant 0 : i32
    %dma_wait3A_185 = arith.constant 0 : i32
    %dma_wait3A_186 = arith.constant 0 : i32
    %dma_wait3A_187 = tpu.memref_slice %arg4[%dma_wait3A_170, %dma_wait3A_184, %add3A, %dma_wait3A_185, %dma_wait3A_186] : memref<200x8x32x8x128xf32, #tpu.memory_space<hbm>> -> memref<1x8x1x8x128xf32, #tpu.memory_space<hbm>>
    %dma_wait3A_188 = tpu.memref_squeeze %dma_wait3A_187 : memref<1x8x1x8x128xf32, #tpu.memory_space<hbm>> -> memref<8x8x128xf32, #tpu.memory_space<hbm>>
    %dma_wait3A_189 = arith.constant 0 : i32
    %dma_wait3A_190 = arith.constant 0 : i32
    %dma_wait3A_191 = arith.constant 0 : i32
    %dma_wait3A_192 = tpu.memref_slice %arg9[%dma_wait3A_169, %dma_wait3A_189, %dma_wait3A_190, %dma_wait3A_191] : memref<4x8x8x128xf32, #tpu.memory_space<vmem>> -> memref<1x8x8x128xf32, #tpu.memory_space<vmem>>
    %dma_wait3A_193 = tpu.memref_squeeze %dma_wait3A_192 : memref<1x8x8x128xf32, #tpu.memory_space<vmem>> -> memref<8x8x128xf32, #tpu.memory_space<vmem>>
    tpu.wait_dma2 semaphore(%dma_wait3A_183 : memref<!tpu.dma_semaphore, #tpu.memory_space<semaphore_mem>>) src(%dma_wait3A_193 : memref<8x8x128xf32, #tpu.memory_space<vmem>>) dst(%dma_wait3A_188 : memref<8x8x128xf32, #tpu.memory_space<hbm>>)
    return
  }
}

</mosaic_0001>

<sc_bundles>
// kernel: kernel.3.cloned.1.call-start
scs
__scs_entry_jumppad:
0x0: {  	(pc) =	sbr.rel $0x88, $3  }
0x1: {  	(tag) =	ssettag $0x0;
	lr =	simm.s32 $0x1  }
0x2: {  	[smem:$0x3F9F] =	sst lr;
	_ =	strace $0xD0000000  }
0x3: {  	_ = 	snop  }
0x4: {  	_ = 	snop  }
0x5: {  	_ = 	snop  }
0x6: {  	_ = 	snop  }
0x7: {  	_ = 	snop  }
__scs_overlays_trampoline_lowered:
0x8: {  	[smem:$0x3FAE] =	sst s0  }
0x9: {  	[smem:$0x3FAF] =	sst s1  }
0xa: {  	[smem:$0x3FB0] =	sst s2  }
0xb: {  	[smem:$0x3FB1] =	sst s3  }
0xc: {  	[smem:$0x3FB2] =	sst s4  }
0xd: {  	[smem:$0x3FB3] =	sst s5  }
0xe: {  	[smem:$0x3FB4] =	sst s6  }
0xf: {  	[smem:$0x3FB5] =	sst s7  }
0x10: {  	[smem:$0x3FB6] =	sst s8  }
0x11: {  	[smem:$0x3FB7] =	sst s9;
	s0 =	simm.s32 @!p0 $0x0  }
0x12: {  	s1 =	sld [smem:$0x3F9D];
	s0 =	simm.s32 @p0 $0x1  }
0x13: {  	[smem:$0x3FB8] =	sst s0;
	s0 =	simm.s32 @!p1 $0x0  }
0x14: {  	s2 =	sld [smem:$0x3F9C];
	s0 =	simm.s32 @p1 $0x1  }
0x15: {  	[smem:$0x3FB9] =	sst s0;
	s0 =	simm.s32 @!p2 $0x0  }
0x16: {  	s3 =	sld [smem:$0x3FDB];
	s0 =	simm.s32 @p2 $0x1  }
0x17: {  	s4 =	simm.s32 $0x1BF5;
	[smem:$0x3FBB] =	sst s0  }
0x18: {  	s0 =	sld [smem:$0x3F9E];
	_ =	swait.ge [sflag:s4], $0x0  }
0x19: {  	s7 =	sld [smem:$0x3F9F]  }
0x1a: {  	s8 =	sadd.s32 $0xFFFFE003, lr  }
0x1b: {  	s9 =	sadd.s32 $0xFFFFFEF7, lr;
	s5 =	simm.s32 $0xFFFFFFFF;
	p2 =	slt.u32 s8, $0xFFFFF086  }
0x1c: {  	p1 =	slt.u32 s9, $0xF7A;
	s5 =	simm.s32 @!p2 $0x0  }
0x1d: {  	s5 =	simm.s32 @p1 $0x1;
	p0 =	seq.s32 s7, s2  }
0x1e: {  	s7 =	smul.u32 @!p0 $0xF7A, s2;
	p2 =	seq.s32 @!p0 s5, $0x0  }
0x1f: {  	s9 =	smul.u32 $0xF7A, s1;
	s8 =	simm.s32 @!p0 $0x1BF5;
	p2 =	por !p2, p0  }
0x20: {  	[sflag:s8] =	ssyncset.s32 @!p0 $0xFFFFF086;
	s6 =	sadd.s32 @!p0 s3, s7;
	s7 =	simm.s32 @!p0 $0x108  }
0x21: {  	s3 =	sadd.s32 s3, s9;
	s6 =	sadd.s32 @!p0 $0x88, s6;
	s7 =	simm.s32 @p2 $0x1082  }
0x22: {  	[simem:s7], [sflag:s8] =	dma.local @!p0 [hbm:s6], $0xF7A  }
0x23: {  	s9 =	sor.u32 $0xD0000000, s2;
	s6 =	simm.s32 $0x108;
	_ =	swait.ge @!p0 [sflag:s8], $0x0  }
0x24: {  	s3 =	sadd.s32 $0x88, s3;
	s6 =	simm.s32 @!p1 $0x1082;
	[sflag:s4] =	ssyncset.s32 $0xFFFFF086  }
0x25: {  	[simem:s6], [sflag:s4] =	dma.local [hbm:s3], $0xF7A  }
0x26: {  	[smem:$0x3F9F] =	sst s1;
	(tag) =	ssettag s2;
	_ =	strace s9  }
0x27: {  	s1 =	sld [smem:$0x3FAF]  }
0x28: {  	s2 =	sld [smem:$0x3FB0]  }
0x29: {  	s4 =	sld [smem:$0x3FB2]  }
0x2a: {  	p0 =	seq.s32 s5, $0x0;
	s5 =	sld [smem:$0x3FB3]  }
0x2b: {  	s6 =	sld [smem:$0x3FB4]  }
0x2c: {  	s7 =	sld [smem:$0x3FB5]  }
0x2d: {  	s3 =	simm.s32 $0x108;
	s8 =	sld [smem:$0x3FB6]  }
0x2e: {  	s3 =	simm.s32 @!p0 $0x1082;
	s9 =	sld [smem:$0x3FB7]  }
0x2f: {  	lr =	sadd.s32 s0, s3;
	s0 =	sld [smem:$0x3FAE]  }
0x30: {  	s3 =	sld [smem:$0x3FB1]  }
0x31: {  	[smem:$0x3FBA] =	sst s10  }
0x32: {  	s10 =	sld [smem:$0x3FB8];
	_ =	sdelay $0x3  }
0x33: {  	p0 =	seq.s32 s10, $0x1;
	s10 =	sld [smem:$0x3FBA];
	_ =	sdelay $0x3  }
0x34: {  	[smem:$0x3FBA] =	sst s10  }
0x35: {  	s10 =	sld [smem:$0x3FB9];
	_ =	sdelay $0x3  }
0x36: {  	p1 =	seq.s32 s10, $0x1;
	s10 =	sld [smem:$0x3FBA];
	_ =	sdelay $0x3  }
0x37: {  	[smem:$0x3FBA] =	sst s10  }
0x38: {  	s10 =	sld [smem:$0x3FBB]  }
0x39: {  	_ = 	snop;
	(pc) =	sbr.ind lr, $3  }
0x3a: {  	_ = 	snop  }
0x3b: {  	_ = 	snop  }
0x3c: {  	p2 =	seq.s32 s10, $0x1;
	s10 =	sld [smem:$0x3FBA]  }
0x3d: {  	_ =	shalt  }
0x3e: {  	_ =	shalt  }
0x3f: {  	_ =	shalt  }
0x40: {  	_ =	shalt  }
0x41: {  	_ =	shalt  }
0x42: {  	_ =	shalt  }
0x43: {  	_ =	shalt  }
0x44: {  	_ =	shalt  }
0x45: {  	_ =	shalt  }
0x46: {  	_ =	shalt  }
0x47: {  	_ =	shalt  }
0x48: {  	_ =	shalt  }
0x49: {  	_ =	shalt  }
0x4a: {  	_ =	shalt  }
0x4b: {  	_ =	shalt  }
0x4c: {  	_ =	shalt  }
0x4d: {  	_ =	shalt  }
0x4e: {  	_ =	shalt  }
0x4f: {  	_ =	shalt  }
0x50: {  	_ =	shalt  }
0x51: {  	_ =	shalt  }
0x52: {  	_ =	shalt  }
0x53: {  	_ =	shalt  }
0x54: {  	_ =	shalt  }
0x55: {  	_ =	shalt  }
0x56: {  	_ =	shalt  }
0x57: {  	_ =	shalt  }
0x58: {  	_ =	shalt  }
0x59: {  	_ =	shalt  }
0x5a: {  	_ =	shalt  }
0x5b: {  	_ =	shalt  }
0x5c: {  	_ =	shalt  }
0x5d: {  	_ =	shalt  }
0x5e: {  	_ =	shalt  }
0x5f: {  	_ =	shalt  }
0x60: {  	_ =	shalt  }
0x61: {  	_ =	shalt  }
0x62: {  	_ =	shalt  }
0x63: {  	_ =	shalt  }
0x64: {  	_ =	shalt  }
0x65: {  	_ =	shalt  }
0x66: {  	_ =	shalt  }
0x67: {  	_ =	shalt  }
0x68: {  	_ =	shalt  }
0x69: {  	_ =	shalt  }
0x6a: {  	_ =	shalt  }
0x6b: {  	_ =	shalt  }
0x6c: {  	_ =	shalt  }
0x6d: {  	_ =	shalt  }
0x6e: {  	_ =	shalt  }
0x6f: {  	_ =	shalt  }
0x70: {  	_ =	shalt  }
0x71: {  	_ =	shalt  }
0x72: {  	_ =	shalt  }
0x73: {  	_ =	shalt  }
0x74: {  	_ =	shalt  }
0x75: {  	_ =	shalt  }
0x76: {  	_ =	shalt  }
0x77: {  	_ =	shalt  }
0x78: {  	_ =	shalt  }
0x79: {  	_ =	shalt  }
0x7a: {  	_ =	shalt  }
0x7b: {  	_ =	shalt  }
0x7c: {  	_ =	shalt  }
0x7d: {  	_ =	shalt  }
0x7e: {  	_ =	shalt  }
0x7f: {  	_ =	shalt  }
0x80: {  	_ =	shalt  }
0x81: {  	_ =	shalt  }
0x82: {  	_ =	shalt  }
0x83: {  	_ =	shalt  }
0x84: {  	_ =	shalt  }
0x85: {  	_ =	shalt  }
0x86: {  	_ =	shalt  }
0x87: {  	_ =	shalt  }
.Lfunc_end0:
.L_simem_size_0:
called_computation_lowered:
.L_overlay_start_0:
0x88: {  	s2 =	sld [smem:$0x3FD9]  }
0x89: {  	s3 =	sld [smem:$0x3FFE];
	_ =	sdelay $0x1  }
0x8a: {  	s1 =	srdreg.scid  }
0x8b: {  	s0 =	sand.u32 $0x1, s1  }
0x8c: {  	s17 =	sshll.u32 s0, $0xA;
	s2 =	sadd.s32 s3, s2  }
0x8d: {  	s2 =	sadd.s32 s2, s17  }
0x8e: {  	[smem:$0x3FC6] =	sst s2  }
0x8f: {  	_ = 	snop  }
0x90: {  	s2 =	sld [smem:$0x3FD0];
	(tm) =	ssettm $0x1  }
0x91: {  	s18 =	sld [smem:$0x3FFB];
	_ =	sdelay $0x3  }
0x92: {  	_ =	strace s18  }
0x93: {  	s3 =	sld [smem:$0x3FFC];
	_ =	sdelay $0x3  }
0x94: {  	_ =	strace s3  }
0x95: {  	s3 =	sld [smem:$0x3FFD];
	_ =	sdelay $0x3  }
0x96: {  	_ =	strace s3  }
0x97: {  	_ =	strace $0x8FFFFFFF  }
0x98: {  	s19 =	sld [smem:$0x3FDB];
	_ =	sdelay $0x1  }
0x99: {  	s4 =	simm.s32 $_scs_section_size  }
0x9a: {  	s5 =	simm.s32 $_size__tile_overlayer_lowered;
	s6 =	simm.s32 $_tile_overlayer_lowered  }
0x9b: {  	s22 =	simm.s32 $0x1BFF;
	s21 =	sshll.u32 s6, $0x1;
	s3 =	sadd.s32 s4, s19  }
0x9c: {  	s7 =	simm.s32 $0x0;
	s20 =	sshll.u32 s5, $0x1;
	s5 =	sadd.s32 s21, s3  }
0x9d: {  	[timem:s7], [sflag:s22] =	dma.local [hbm:s5], s20  }
0x9e: {  	_ =	swait.ge [sflag:s22], s20  }
0x9f: {  	s4 =	ssub.s32 $0x0, s20;
	[sflag:s22] =	ssyncset.done $0x0  }
0xa0: {  	[sflag:s22] =	ssyncadd.s32 s4;
	_ =	sdelay $0x1  }
0xa1: {  	s23 =	simm.s32 $0x1B8B  }
0xa2: {  	_ =	swait.ge [sflag:s23], $0x1  }
0xa3: {  	[sflag:s23] =	ssyncset.done $0x0  }
0xa4: {  	s25 =	simm.s32 $0x1B8E;
	s24 =	sld [smem:$0x3FFE];
	[sflag:s23] =	ssyncadd.s32 $0xFFFFFFFF  }
0xa5: {  	s26 =	simm.s32 $execute0_lowered;
	[smem:$0x3FD2] =	sst s25  }
0xa6: {  	s5 =	sshll.u32 s26, $0x1;
	_ =	strace $0x80000046;
	[dreg:$0x1] =	wrdreg $0xFFFFFFFF  }
0xa7: {  	s28 =	simm.s32 $_size_execute0_lowered;
	s3 =	sadd.s32 s3, s5;
	[dreg:$0x0] =	wrdreg $0x0  }
0xa8: {  	s5 =	sshll.u32 s28, $0x1;
	[dreg:$0x2] =	wrdreg s3  }
0xa9: {  	[dreg:$0x3] =	wrdreg s5  }
0xaa: {  	[dreg:$0x4] =	wrdreg $0xC0  }
0xab: {  	_ =	task [dreg:s7], $0x5FFFF  }
0xac: {  	[dreg:$0x1] =	wrdreg $0xFFFFFFFF  }
0xad: {  	[dreg:$0x0] =	wrdreg $0x60  }
0xae: {  	[dreg:$0x2] =	wrdreg s24  }
0xaf: {  	[dreg:$0x3] =	wrdreg s2  }
0xb0: {  	[dreg:$0x4] =	wrdreg $0x9  }
0xb1: {  	_ =	task.clear_ibuf [dreg:s7], $0x5FFFF;
	_ =	strace $0x90000046  }
0xb2: {  	s29 =	simm.s32 $0x9;
	_ =	strace $0x80000048  }
0xb3: {  	_ =	swait.ge [sflag:s29], $0x1  }
0xb4: {  	[sflag:s29] =	ssyncadd.s32 $0xFFFFFFFF  }
0xb5: {  	_ =	strace $0x90000048  }
0xb6: {  	_ =	sfence  }
0xb7: {  	s30 =	sld [smem:$0x0];
	_ =	sdelay $0x2  }
0xb8: {  	s31 =	sshll.u32 s1, $0xD;
	s1 =	sshrl.u32 s1, $0x2  }
0xb9: {  	s3 =	sand.u32 $0x4000, s31;
	s1 =	sadd.s32 s1, s30  }
0xba: {  	s0 =	sor.u32 s3, s0;
	s1 =	sshll.u32 s1, $0x11  }
0xbb: {  	s0 =	sor.u32 s1, s0  }
0xbc: {  	s0 =	sadd.s32 $0x8F2B, s0  }
0xbd: {  	[sflag:s0] =	ssyncadd.remote.s32 $0x1  }
0xbe: {  	_ =	sfence.sel $0xFFFF  }
0xbf: {  	[dreg:$0x0] =	wrdreg $0xFFFFFFFF;
	(pc) =	sbr.abs _section_cstart, $3  }
0xc0: {  	[dreg:$0x1] =	wrdreg $0xFFFFFFFF  }
0xc1: {  	_ =	task.clear_ibuf [dreg:s7], $0x2FFFF;
	_ =	strace $0x9FFFFFFF  }
0xc2: {  	(tm) =	ssettm $0x7FFFFFFF  }
0xc3: {  	_ =	shalt  }
tec
execute0_lowered:
.L_overlay_start_1:
0x0: {  	(tag) =	ssettag $0x1  }
0x1: {  	s0 =	srdreg.scid  }
0x2: {  	s2 =	stileid.u32;
	s1 =	rddreg [dreg:$0x0]  }
0x3: {  	s5 =	rddreg [dreg:$0x1];
	s8 =	simm.s32 $0x80;
	s11 =	simm.s32 $0x6480  }
0x4: {  	s17 =	simm.s32 $0x14800;
	s18 =	simm.s32 $0x400;
	s19 =	simm.s32 $0x8000  }
0x5: {  	v3 =	vlaneseq.u32;
	s20 =	simm.s32 $0x5;
	s21 =	simm.s32 $0x6;
	s22 =	simm.s32 $0x7  }
0x6: {  	s23 =	simm.s32 $0x8;
	s0 =	sand.u32 $0x1, s0;
	s2 =	sshll.u32 s2, $0x1;
	v0 =	vmul.u32 $0xC8, v3  }
0x7: {  	s24 =	simm.s32 $0x0;
	s4 =	sor.u32 s0, s2;
	s0 =	ssub.s32 $0x2, s0  }
0x8: {  	v3 =	vmul.u32 $0x48, v3;
	s2 =	simm.s32 $0x0;
	s3 =	smul.u32 $0xC80, s4;
	s7 =	sshrl.u32 s0, $0x1;
	v1 =	vadd.s32 $0xC80, v0;
	v2 =	vadd.s32 $0x1900, v0  }
0x9: {  	[smem:$0x7FF] =	sst s2;
	s30 =	sshll.u32 s4, $0x7;
	v4 =	vadd.s32 $0x2580, v0;
	v5 =	vadd.s32 $0x3200, v0;
	v6 =	vadd.s32 $0x3E80, v0;
	s0 =	ssub.s32 s0, s7  }
0xa: {  	v7 =	vadd.s32 $0x4B00, v0;
	v8 =	vadd.s32 $0x5780, v0;
	v9 =	vadd.s32 $0x480, v3;
	_ =	strace $0x80000047;
	s6 =	sadd.s32 s3, s1;
	s0 =	smax.u32 s0, $0x1  }
0xb: {  	v10 =	vadd.s32 $0x900, v3;
	v11 =	vadd.s32 $0xD80, v3;
	v12 =	vadd.s32 $0x1200, v3;
	s5 =	sadd.s32 s5, s30;
	s31 =	sadd.s32 $0x400, s6;
	[dreg:$0x4] =	wrdreg s0  }
0xc: {  	v13 =	vadd.s32 $0x1680, v3;
	v14 =	vadd.s32 $0x1B00, v3;
	v15 =	vadd.s32 $0x1F80, v3;
	s7 =	simm.s32 $0x9;
	s3 =	sadd.s32 $0x19400, s1;
	[dreg:$0x3] =	wrdreg s31  }
.LBB2_1:
0xd: {  	v16 =	vmov s2;
	v17 =	vadd.s32 s2, v0  }
0xe: {  	v18 =	vadd.s32 s2, v8;
	v17 =	vand.u32 $0x1FF8, v17;
	v16 =	vand.u32 $0x6, v16  }
0xf: {  	v19 =	vadd.s32 s2, v1;
	s0 =	rddreg [dreg:$0x3];
	v18 =	vand.u32 $0xFFF8, v18;
	v17 =	vor.u32 v16, v17  }
0x10: {  	v20 =	vadd.s32 s2, v2;
	[tilespmem:s2], [sflag:$0x9] =	stream.linear.gather [hbm4b:s0+s2], $0x6400, $0x38;
	v19 =	vand.u32 $0x3FF8, v19;
	v18 =	vor.u32 v16, v18;
	[tilespmem:$0x1EC00] =	vst v63  }
0x11: {  	v21 =	vadd.s32 s2, v4;
	v20 =	vand.u32 $0x7FF8, v20;
	_ =	swait.ge [sflag:s7], $0x6400;
	v19 =	vor.u32 v16, v19  }
0x12: {  	v22 =	vadd.s32 s2, v5;
	v21 =	vand.u32 $0x7FF8, v21;
	v20 =	vor.u32 v16, v20;
	[sflag:s7] =	ssyncset.done $0x0  }
0x13: {  	v23 =	vadd.s32 s2, v6;
	v22 =	vand.u32 $0x7FF8, v22;
	v21 =	vor.u32 v16, v21;
	[sflag:s7] =	ssyncadd.s32 $0xFFFF9C00  }
0x14: {  	v24 =	vadd.s32 s2, v7;
	v23 =	vand.u32 $0xFFF8, v23;
	v22 =	vor.u32 v16, v22;
	v17 =	vld.idx.msk [tilespmem:v17+s2+$0x0], $0xffff  }
0x15: {  	v25 =	vor.u32 v16, v23;
	v23 =	vand.u32 $0x7FF8, v24;
	v24 =	vld.idx.msk [tilespmem:v18+s2+$0x0], $0xffff  }
0x16: {  	s1 =	simm.s32 $0x1;
	v16 =	vor.u32 v16, v23;
	v19 =	vld.idx.msk [tilespmem:v19+s2+$0x0], $0xffff  }
0x17: {  	v26 =	vadd.s32 s1, v0;
	v31 =	vld.idx.msk [tilespmem:v20+s2+$0x0], $0xffff  }
0x18: {  	v23 =	vld.idx.msk [tilespmem:v21+s2+$0x0], $0xffff;
	v21 =	vadd.s32 s1, v1  }
0x19: {  	v32 =	vadd.s32 s1, v2;
	v22 =	vld.idx.msk [tilespmem:v22+s2+$0x0], $0xffff  }
0x1a: {  	v28 =	vadd.s32 s1, v4;
	v20 =	vld.idx.msk [tilespmem:v25+s2+$0x0], $0xffff  }
0x1b: {  	s0 =	simm.s32 $0x2;
	v27 =	vadd.s32 s1, v5;
	v18 =	vld.idx.msk [tilespmem:v16+s2+$0x0], $0xffff;
	[tilespmem:s11+$0xFFFFFFF0] =	vst v24  }
0x1c: {  	v29 =	vadd.s32 s0, v0;
	[tilespmem:s11+$0xFFFFFF80] =	vst v17;
	v17 =	vld.idx.msk [tilespmem:v26+s2+$0x0], $0xffff;
	v26 =	vadd.s32 s1, v6  }
0x1d: {  	v30 =	vadd.s32 s0, v8;
	v16 =	vmov s0;
	v24 =	vadd.s32 s1, v7;
	[tilespmem:s11+$0xFFFFFF90] =	vst v19;
	v19 =	vld.idx.msk [tilespmem:v21+s2+$0x0], $0xffff  }
0x1e: {  	s9 =	simm.s32 $0x4;
	v29 =	vand.u32 $0x1FF8, v29;
	v25 =	vadd.s32 s1, v8;
	v16 =	vand.u32 $0x6, v16;
	[tilespmem:s11+$0xFFFFFFA0] =	vst v31;
	v21 =	vld.idx.msk [tilespmem:v32+s2+$0x0], $0xffff;
	s1 =	simm.s32 $0x6480  }
.LBB2_2:
0x1f: {  	p0 =	slt.u32 s9, $0xC6;
	v29 =	vor.u32 v16, v29;
	v31 =	vadd.s32 s0, v1;
	v30 =	vand.u32 $0xFFF8, v30;
	[tilespmem:s1+$0xFFFFFFB0] =	vst v23;
	v23 =	vld.idx.msk [tilespmem:v28+s2+$0x0], $0xffff  }
0x20: {  	v28 =	vand.u32 $0x3FF8, v31;
	v31 =	vadd.s32 s0, v2;
	v30 =	vor.u32 v16, v30;
	[tilespmem:s1+$0xFFFFFFC0] =	vst v22;
	v22 =	vld.idx.msk [tilespmem:v27+s2+$0x0], $0xffff  }
0x21: {  	v27 =	vor.u32 v16, v28;
	v28 =	vand.u32 $0x7FF8, v31;
	v31 =	vadd.s32 s0, v4;
	[tilespmem:s1+$0xFFFFFFD0] =	vst v20;
	v20 =	vld.idx.msk [tilespmem:v26+s2+$0x0], $0xffff  }
0x22: {  	v26 =	vor.u32 v16, v28;
	v28 =	vand.u32 $0x7FF8, v31;
	v31 =	vadd.s32 s0, v5;
	[tilespmem:s1+$0xFFFFFFE0] =	vst v18;
	v18 =	vld.idx.msk [tilespmem:v24+s2+$0x0], $0xffff  }
0x23: {  	v24 =	vor.u32 v16, v28;
	v28 =	vand.u32 $0x7FF8, v31;
	v31 =	vadd.s32 s0, v6;
	v25 =	vld.idx.msk [tilespmem:v25+s2+$0x0], $0xffff;
	[tilespmem:s1+$0x0] =	vst v17  }
0x24: {  	v17 =	vld.idx.msk [tilespmem:v29+s2+$0x0], $0xffff;
	v28 =	vor.u32 v16, v28;
	v29 =	vand.u32 $0xFFF8, v31;
	v31 =	vadd.s32 s0, v7;
	[tilespmem:s1+$0x10] =	vst v19  }
0x25: {  	v19 =	vor.u32 v16, v29;
	v29 =	vand.u32 $0x7FF8, v31;
	v30 =	vld.idx.msk [tilespmem:v30+s2+$0x0], $0xffff;
	[tilespmem:s1+$0x20] =	vst v21  }
0x26: {  	s10 =	sadd.s32 $0x1, s0;
	s0 =	smov.u32 s9;
	v21 =	vld.idx.msk [tilespmem:v27+s2+$0x0], $0xffff;
	v16 =	vor.u32 v16, v29;
	[tilespmem:s1+$0x30] =	vst v23  }
0x27: {  	v31 =	vld.idx.msk [tilespmem:v26+s2+$0x0], $0xffff;
	v26 =	vadd.s32 s10, v0;
	[tilespmem:s1+$0x40] =	vst v22  }
0x28: {  	v29 =	vadd.s32 s10, v1;
	v23 =	vld.idx.msk [tilespmem:v24+s2+$0x0], $0xffff;
	[tilespmem:s1+$0x50] =	vst v20  }
0x29: {  	v32 =	vadd.s32 s10, v2;
	v22 =	vld.idx.msk [tilespmem:v28+s2+$0x0], $0xffff;
	[tilespmem:s1+$0x60] =	vst v18  }
.Ltmp0:
0x2a: {  	v28 =	vadd.s32 s10, v4;
	v20 =	vld.idx.msk [tilespmem:v19+s2+$0x0], $0xffff;
	[tilespmem:s1+$0x70] =	vst v25;
	s1 =	sadd.s32 $0x100, s1;
	(pc) =	sbr.rel @p0 .LBB2_2-.Ltmp0, $4  }
0x2b: {  	v27 =	vadd.s32 s10, v5;
	v18 =	vld.idx.msk [tilespmem:v16+s2+$0x0], $0xffff;
	[tilespmem:s1+$0xFFFFFFF0] =	vst v30  }
0x2c: {  	v24 =	vadd.s32 s10, v7;
	[tilespmem:s1+$0xFFFFFF80] =	vst v17;
	v17 =	vld.idx.msk [tilespmem:v26+s2+$0x0], $0xffff;
	v26 =	vadd.s32 s10, v6  }
0x2d: {  	v25 =	vadd.s32 s10, v8;
	v16 =	vmov s9;
	v30 =	vadd.s32 s9, v0;
	[tilespmem:s1+$0xFFFFFF90] =	vst v21;
	v19 =	vld.idx.msk [tilespmem:v29+s2+$0x0], $0xffff  }
0x2e: {  	s9 =	sadd.s32 $0x2, s9;
	v16 =	vand.u32 $0x6, v16;
	v29 =	vand.u32 $0x1FF8, v30;
	v30 =	vadd.s32 s0, v8;
	[tilespmem:s1+$0xFFFFFFA0] =	vst v31;
	v21 =	vld.idx.msk [tilespmem:v32+s2+$0x0], $0xffff  }
0x2f: {  	_ =	sdelay $0x3  }
0x30: {  	v29 =	vor.u32 v16, v29;
	v31 =	vadd.s32 s0, v1;
	v30 =	vand.u32 $0xFFF8, v30;
	v28 =	vld.idx.msk [tilespmem:v28+s2+$0x0], $0xffff;
	[tilespmem:s1+$0xFFFFFFB0] =	vst v23  }
0x31: {  	v39 =	vadd.s32 s0, v2;
	v27 =	vld.idx.msk [tilespmem:v27+s2+$0x0], $0xffff;
	[tilespmem:s1+$0xFFFFFFC0] =	vst v22;
	v38 =	vand.u32 $0x3FF8, v31;
	v30 =	vor.u32 v16, v30  }
0x32: {  	v42 =	vadd.s32 s0, v4;
	v26 =	vld.idx.msk [tilespmem:v26+s2+$0x0], $0xffff;
	[tilespmem:s1+$0xFFFFFFD0] =	vst v20;
	v41 =	vand.u32 $0x7FF8, v39;
	v40 =	vor.u32 v16, v38  }
0x33: {  	v45 =	vadd.s32 s0, v5;
	v24 =	vld.idx.msk [tilespmem:v24+s2+$0x0], $0xffff;
	v44 =	vand.u32 $0x7FF8, v42;
	[tilespmem:s1+$0xFFFFFFE0] =	vst v18;
	v43 =	vor.u32 v16, v41  }
0x34: {  	v48 =	vadd.s32 s0, v6;
	v25 =	vld.idx.msk [tilespmem:v25+s2+$0x0], $0xffff;
	v47 =	vand.u32 $0x7FF8, v45;
	v46 =	vor.u32 v16, v44;
	[tilespmem:s1+$0x0] =	vst v17  }
0x35: {  	v50 =	vadd.s32 s0, v7;
	v49 =	vand.u32 $0xFFF8, v48;
	v23 =	vor.u32 v16, v47;
	[tilespmem:s1+$0x10] =	vst v19;
	v17 =	vld.idx.msk [tilespmem:v29+s2+$0x0], $0xffff  }
0x36: {  	v52 =	vand.u32 $0x7FF8, v50;
	v51 =	vor.u32 v16, v49;
	[tilespmem:s1+$0x20] =	vst v21;
	v30 =	vld.idx.msk [tilespmem:v30+s2+$0x0], $0xffff  }
0x37: {  	s14 =	sadd.s32 $0x1, s0;
	v16 =	vor.u32 v16, v52;
	[tilespmem:s1+$0x30] =	vst v28;
	v53 =	vld.idx.msk [tilespmem:v40+s2+$0x0], $0xffff  }
0x38: {  	v54 =	vadd.s32 s14, v0;
	[tilespmem:s1+$0x40] =	vst v27;
	v20 =	vld.idx.msk [tilespmem:v43+s2+$0x0], $0xffff  }
0x39: {  	v55 =	vadd.s32 s14, v1;
	[tilespmem:s1+$0x50] =	vst v26;
	v18 =	vld.idx.msk [tilespmem:v46+s2+$0x0], $0xffff  }
0x3a: {  	v56 =	vadd.s32 s14, v2;
	[tilespmem:s1+$0x60] =	vst v24;
	v23 =	vld.idx.msk [tilespmem:v23+s2+$0x0], $0xffff  }
0x3b: {  	s15 =	sadd.s32 $0x100, s1;
	v57 =	vadd.s32 s14, v4;
	[tilespmem:s1+$0x70] =	vst v25;
	v19 =	vld.idx.msk [tilespmem:v51+s2+$0x0], $0xffff  }
0x3c: {  	v58 =	vadd.s32 s14, v5;
	v16 =	vld.idx.msk [tilespmem:v16+s2+$0x0], $0xffff;
	[tilespmem:s15+$0xFFFFFF80] =	vst v17  }
0x3d: {  	v59 =	vadd.s32 s14, v6;
	v22 =	vld.idx.msk [tilespmem:v54+s2+$0x0], $0xffff;
	[tilespmem:s15+$0xFFFFFFF0] =	vst v30  }
0x3e: {  	v60 =	vadd.s32 s14, v8;
	v27 =	vld.idx.msk [tilespmem:v55+s2+$0x0], $0xffff;
	[tilespmem:s15+$0xFFFFFF90] =	vst v53  }
0x3f: {  	v26 =	vld.idx.msk [tilespmem:v56+s2+$0x0], $0xffff;
	v17 =	vadd.s32 s14, v7;
	[tilespmem:s15+$0xFFFFFFA0] =	vst v20  }
0x40: {  	v61 =	vld.idx.msk [tilespmem:v57+s2+$0x0], $0xffff;
	[tilespmem:s15+$0xFFFFFFB0] =	vst v18  }
0x41: {  	v62 =	vld.idx.msk [tilespmem:v58+s2+$0x0], $0xffff;
	[tilespmem:s15+$0xFFFFFFC0] =	vst v23  }
0x42: {  	v63 =	vld.idx.msk [tilespmem:v59+s2+$0x0], $0xffff;
	[tilespmem:s15+$0xFFFFFFD0] =	vst v19  }
0x43: {  	[tilespmem:s15+$0xFFFFFFE0] =	vst v16;
	v16 =	vld.idx.msk [tilespmem:v60+s2+$0x0], $0xffff  }
0x44: {  	v17 =	vld.idx.msk [tilespmem:v17+s2+$0x0], $0xffff;
	[tilespmem:s15+$0x0] =	vst v22  }
0x45: {  	[tilespmem:s15+$0x10] =	vst v27  }
0x46: {  	[tilespmem:s15+$0x20] =	vst v26  }
0x47: {  	[tilespmem:s15+$0x30] =	vst v61  }
0x48: {  	[tilespmem:s15+$0x40] =	vst v62  }
0x49: {  	[tilespmem:s15+$0x50] =	vst v63  }
0x4a: {  	[tilespmem:s15+$0x70] =	vst v16  }
0x4b: {  	s16 =	simm.s32 $0x6400;
	s25 =	simm.s32 $0xC800;
	[tilespmem:s15+$0x60] =	vst v17  }
0x4c: {  	[tilespmem:s25], [sflag:$0x1] =	stream.indirect.gather [hbm4b:s3+s8], $0x40, s16, s8, $0xb8;
	[tilespmem:$0x1EC00] =	vst v63  }
0x4d: {  	s26 =	simm.s32 $0xE800  }
0x4e: {  	[tilespmem:s26], [sflag:$0x2] =	stream.indirect.gather [hbm4b:s3+s8], $0x40, s11, s8, $0xb8;
	[tilespmem:$0x1EC00] =	vst v63  }
0x4f: {  	s28 =	simm.s32 $0x6500;
	s29 =	simm.s32 $0x10800;
	s30 =	simm.s32 $0x6580  }
0x50: {  	[tilespmem:s29], [sflag:$0x3] =	stream.indirect.gather [hbm4b:s3+s8], $0x40, s28, s8, $0xb8;
	[tilespmem:$0x1EC00] =	vst v63  }
0x51: {  	s31 =	simm.s32 $0x12800;
	s25 =	simm.s32 $0x0;
	s26 =	simm.s32 $0x0  }
0x52: {  	[tilespmem:s31], [sflag:$0x4] =	stream.indirect.gather [hbm4b:s3+s8], $0x40, s30, s8, $0xb8;
	[tilespmem:$0x1EC00] =	vst v63  }
.LBB2_4:
0x53: {  	s29 =	sand.u32 $0x3, s26  }
0x54: {  	s28 =	sadd.s32 $0x1, s29  }
0x55: {  	_ =	swait.ge [sflag:s28], $0x2000  }
0x56: {  	p0 =	slt.u32 s26, $0x4;
	[sflag:s28] =	ssyncset.done $0x0  }
0x57: {  	s1 =	sadd.s32 @!p0 $0x5, s29;
	[sflag:s28] =	ssyncadd.s32 $0xFFFFE000  }
0x58: {  	s0 =	sshll.u32 s25, $0xD;
	_ =	swait.ge @!p0 [sflag:s1], $0x2000  }
0x59: {  	s0 =	sand.u32 $0x6000, s0;
	[sflag:s1] =	ssyncset.done @!p0 $0x0  }
0x5a: {  	s12 =	sadd.s32 $0xC880, s0;
	[sflag:s1] =	ssyncadd.s32 @!p0 $0xFFFFE000  }
0x5b: {  	v17 =	vld [tilespmem:s12+$0xFFFFFFC0]  }
0x5c: {  	v16 =	vld [tilespmem:s12+$0x40]  }
0x5d: {  	v18 =	vld [tilespmem:s12+$0x0];
	_ =	sdelay $0x1  }
0x5e: {  	s1 =	simm.s32 $0x14890  }
0x5f: {  	v19 =	vld [tilespmem:s12+$0xFFFFFF80];
	[tilespmem:s1+$0xFFFFFFB8] =	vst v17  }
0x60: {  	[tilespmem:s1+$0x48] =	vst v16;
	v17 =	vld [tilespmem:s12+$0xFFFFFFD0]  }
0x61: {  	[tilespmem:s1+$0x0] =	vst v18;
	v16 =	vld [tilespmem:s12+$0x50]  }
0x62: {  	v18 =	vld [tilespmem:s12+$0x10]  }
0x63: {  	s9 =	sadd.s32 $0x100, s12  }
0x64: {  	v20 =	vld [tilespmem:s9+$0x40];
	[tilespmem:s1+$0xFFFFFF70] =	vst v19  }
0x65: {  	v19 =	vld [tilespmem:s12+$0xFFFFFF90];
	[tilespmem:s1+$0xFFFFFFC8] =	vst v17  }
0x66: {  	[tilespmem:s1+$0x58] =	vst v16;
	v17 =	vld [tilespmem:s12+$0xFFFFFFE0]  }
0x67: {  	[tilespmem:s1+$0x10] =	vst v18;
	v16 =	vld [tilespmem:s12+$0x60]  }
0x68: {  	s10 =	simm.s32 $0x149B0;
	v18 =	vld [tilespmem:s12+$0x20]  }
0x69: {  	v21 =	vld [tilespmem:s9+$0xFFFFFFC0];
	[tilespmem:s10+$0x48] =	vst v20  }
0x6a: {  	v20 =	vld [tilespmem:s9+$0x50];
	[tilespmem:s1+$0xFFFFFF80] =	vst v19  }
0x6b: {  	[tilespmem:s1+$0xFFFFFFD8] =	vst v17;
	v17 =	vld [tilespmem:s9+$0x0]  }
0x6c: {  	v19 =	vld [tilespmem:s9+$0xFFFFFF80];
	[tilespmem:s1+$0x68] =	vst v16  }
0x6d: {  	[tilespmem:s1+$0x20] =	vst v18;
	v18 =	vld [tilespmem:s12+$0xFFFFFFA0]  }
0x6e: {  	[tilespmem:s10+$0xFFFFFFB8] =	vst v21;
	v16 =	vld [tilespmem:s12+$0x70]  }
0x6f: {  	v21 =	vld [tilespmem:s9+$0xFFFFFFD0];
	[tilespmem:s10+$0x58] =	vst v20  }
0x70: {  	[tilespmem:s10+$0x0] =	vst v17;
	v17 =	vld [tilespmem:s12+$0xFFFFFFF0]  }
0x71: {  	[tilespmem:s10+$0xFFFFFF70] =	vst v19;
	v22 =	vld [tilespmem:s9+$0x10]  }
0x72: {  	v23 =	vld [tilespmem:s9+$0xFFFFFF90];
	[tilespmem:s1+$0xFFFFFF90] =	vst v18  }
0x73: {  	[tilespmem:s1+$0x78] =	vst v16;
	v16 =	vld [tilespmem:s12+$0xFFFFFFB0]  }
0x74: {  	[tilespmem:s10+$0xFFFFFFC8] =	vst v21;
	v18 =	vld [tilespmem:s9+$0x60]  }
0x75: {  	v19 =	vld [tilespmem:s9+$0xFFFFFFE0];
	[tilespmem:s1+$0xFFFFFFE8] =	vst v17  }
0x76: {  	s30 =	sadd.s32 $0x16C40, s0;
	v17 =	vld [tilespmem:s12+$0x30];
	[tilespmem:s10+$0x10] =	vst v22  }
0x77: {  	s0 =	sshll.u32 s29, $0xF;
	s13 =	sadd.s32 $0x100, s9;
	[tilespmem:s10+$0xFFFFFF80] =	vst v23;
	s12 =	simm.s32 $0x4;
	v20 =	vld [tilespmem:s9+$0x20]  }
.LBB2_5:
0x78: {  	v21 =	vld [tilespmem:s13+$0x40];
	s12 =	sadd.s32 $0x4, s12;
	[tilespmem:s1+$0xFFFFFFA0] =	vst v16  }
0x79: {  	v16 =	vld [tilespmem:s13+$0xFFFFFFC0];
	p0 =	slt.u32 s12, $0x7C;
	[tilespmem:s10+$0x68] =	vst v18  }
0x7a: {  	[tilespmem:s10+$0xFFFFFFD8] =	vst v19;
	v18 =	vld [tilespmem:s9+$0x70]  }
0x7b: {  	v19 =	vld [tilespmem:s13+$0x0];
	[tilespmem:s1+$0x30] =	vst v17;
	s1 =	smov.u32 s10  }
0x7c: {  	s10 =	sadd.s32 $0x120, s10;
	v17 =	vld [tilespmem:s13+$0xFFFFFF80];
	[tilespmem:s1+$0x20] =	vst v20  }
0x7d: {  	[tilespmem:s10+$0x48] =	vst v21;
	v20 =	vld [tilespmem:s9+$0xFFFFFFA0]  }
0x7e: {  	[tilespmem:s10+$0xFFFFFFB8] =	vst v16;
	v16 =	vld [tilespmem:s13+$0x50]  }
0x7f: {  	v21 =	vld [tilespmem:s13+$0xFFFFFFD0];
	[tilespmem:s1+$0x78] =	vst v18  }
0x80: {  	[tilespmem:s10+$0x0] =	vst v19;
	v22 =	vld [tilespmem:s9+$0xFFFFFFF0]  }
0x81: {  	[tilespmem:s10+$0xFFFFFF70] =	vst v17;
	v17 =	vld [tilespmem:s13+$0x10]  }
0x82: {  	v23 =	vld [tilespmem:s13+$0xFFFFFF90];
	[tilespmem:s1+$0xFFFFFF90] =	vst v20  }
.Ltmp1:
0x83: {  	[tilespmem:s10+$0x58] =	vst v16;
	v16 =	vld [tilespmem:s9+$0xFFFFFFB0];
	(pc) =	sbr.rel @p0 .LBB2_5-.Ltmp1, $4  }
0x84: {  	[tilespmem:s10+$0xFFFFFFC8] =	vst v21;
	v18 =	vld [tilespmem:s13+$0x60]  }
0x85: {  	v19 =	vld [tilespmem:s13+$0xFFFFFFE0];
	[tilespmem:s1+$0xFFFFFFE8] =	vst v22  }
0x86: {  	[tilespmem:s10+$0x10] =	vst v17;
	v17 =	vld [tilespmem:s9+$0x30];
	s9 =	smov.u32 s13  }
0x87: {  	s13 =	sadd.s32 $0x100, s13;
	[tilespmem:s10+$0xFFFFFF80] =	vst v23;
	v20 =	vld [tilespmem:s9+$0x20]  }
0x88: {  	v21 =	vld [tilespmem:s9+$0xFFFFFFA0];
	_ =	sdelay $0x2  }
0x89: {  	[tilespmem:s1+$0xFFFFFFA0] =	vst v16  }
0x8a: {  	[tilespmem:s10+$0x20] =	vst v20  }
0x8b: {  	[tilespmem:s10+$0xFFFFFF90] =	vst v21;
	v16 =	vld [tilespmem:s9+$0x30]  }
0x8c: {  	v20 =	vld [tilespmem:s9+$0xFFFFFFB0];
	_ =	sdelay $0x1  }
0x8d: {  	[tilespmem:s10+$0x68] =	vst v18  }
0x8e: {  	s12 =	simm.s32 $0x1;
	[tilespmem:s10+$0xFFFFFFD8] =	vst v19;
	v18 =	vld [tilespmem:s9+$0x70]  }
0x8f: {  	s13 =	simm.s32 $0x2;
	[tilespmem:s10+$0x30] =	vst v16;
	v16 =	vmov s12  }
0x90: {  	v19 =	vld [tilespmem:s9+$0xFFFFFFF0];
	[tilespmem:s10+$0xFFFFFFA0] =	vst v20;
	v20 =	vand.u32 $0x3D, v16;
	v16 =	vmov s13  }
0x91: {  	[tilespmem:s1+$0x30] =	vst v17;
	v17 =	vadd.s32 v3, v20;
	v23 =	vand.u32 $0x3E, v16  }
0x92: {  	s4 =	simm.s32 $0x0;
	v16 =	vadd.s32 v3, v23  }
0x93: {  	s14 =	simm.s32 $0x3;
	[tilespmem:s10+$0x78] =	vst v18;
	v18 =	vmov s4  }
0x94: {  	v21 =	vand.u32 $0x3C, v18;
	v18 =	vmov s14  }
0x95: {  	[tilespmem:s10+$0xFFFFFFE8] =	vst v19;
	v19 =	vadd.s32 v3, v21;
	v22 =	vand.u32 $0x3F, v18  }
0x96: {  	v18 =	vadd.s32 v3, v22;
	v17 =	vld.idx.msk [tilespmem:v17+s17+$0x0], $0xffff  }
0x97: {  	s0 =	sshrl.u32 s0, $0x2;
	s15 =	simm.s32 $0x0;
	v24 =	vadd.s32 v9, v20;
	v16 =	vld.idx.msk [tilespmem:v16+s17+$0x0], $0xffff  }
0x98: {  	s16 =	simm.s32 $0x80;
	s9 =	sadd.s32 $0x16C00, s0;
	s0 =	sand.u32 $0x1C00, s15;
	v25 =	vadd.s32 v9, v23  }
0x99: {  	s4 =	simm.s32 $0x100;
	s12 =	sadd.s32 s0, s9;
	s10 =	sand.u32 $0x280, s16  }
0x9a: {  	s0 =	sand.u32 $0x300, s4;
	s31 =	sadd.s32 s10, s12;
	v19 =	vld.idx.msk [tilespmem:v19+s17+$0x0], $0xffff  }
0x9b: {  	v26 =	vadd.s32 v9, v21;
	s0 =	sadd.s32 s0, s12;
	v18 =	vld.idx.msk [tilespmem:v18+s17+$0x0], $0xffff;
	[tilespmem:s31+$0x0] =	vst v17  }
0x9c: {  	v17 =	vadd.s32 v9, v22;
	[tilespmem:s0+$0x0] =	vst v16;
	v16 =	vld.idx.msk [tilespmem:v24+s17+$0x0], $0xffff  }
0x9d: {  	s6 =	simm.s32 $0x180;
	v24 =	vld.idx.msk [tilespmem:v25+s17+$0x0], $0xffff;
	v25 =	vadd.s32 v10, v20  }
0x9e: {  	s1 =	sand.u32 $0x380, s6;
	v27 =	vadd.s32 v10, v23  }
0x9f: {  	s1 =	sadd.s32 s1, s12;
	[tilespmem:s30+$0xFFFFFFC0] =	vst v19  }
0xa0: {  	v19 =	vld.idx.msk [tilespmem:v26+s17+$0x0], $0xffff;
	[tilespmem:s1+$0x0] =	vst v18  }
0xa1: {  	v18 =	vadd.s32 v10, v21;
	v17 =	vld.idx.msk [tilespmem:v17+s17+$0x0], $0xffff;
	[tilespmem:s31+$0x10] =	vst v16  }
0xa2: {  	v16 =	vld.idx.msk [tilespmem:v25+s17+$0x0], $0xffff;
	[tilespmem:s0+$0x10] =	vst v24;
	v24 =	vadd.s32 v10, v22  }
0xa3: {  	v26 =	vadd.s32 v11, v20;
	v25 =	vld.idx.msk [tilespmem:v27+s17+$0x0], $0xffff;
	_ =	sdelay $0x1  }
0xa4: {  	[tilespmem:s30+$0xFFFFFFD0] =	vst v19;
	v27 =	vadd.s32 v11, v23  }
0xa5: {  	v18 =	vld.idx.msk [tilespmem:v18+s17+$0x0], $0xffff;
	[tilespmem:s1+$0x10] =	vst v17  }
0xa6: {  	s6 =	simm.s32 $0x4;
	v19 =	vadd.s32 v11, v21;
	[tilespmem:s31+$0x20] =	vst v16;
	v24 =	vld.idx.msk [tilespmem:v24+s17+$0x0], $0xffff  }
0xa7: {  	v16 =	vmov s6;
	v26 =	vld.idx.msk [tilespmem:v26+s17+$0x0], $0xffff;
	[tilespmem:s0+$0x20] =	vst v25;
	v25 =	vadd.s32 v11, v22  }
0xa8: {  	v28 =	vadd.s32 v12, v20;
	s12 =	simm.s32 $0x5;
	v16 =	vand.u32 $0x3C, v16  }
0xa9: {  	v17 =	vmov s12;
	v27 =	vld.idx.msk [tilespmem:v27+s17+$0x0], $0xffff;
	v30 =	vadd.s32 v3, v16  }
0xaa: {  	s13 =	simm.s32 $0x6;
	v29 =	vadd.s32 v12, v23;
	[tilespmem:s30+$0xFFFFFFE0] =	vst v18;
	v17 =	vand.u32 $0x3D, v17  }
0xab: {  	s14 =	simm.s32 $0x7;
	v18 =	vmov s13;
	v31 =	vld.idx.msk [tilespmem:v19+s17+$0x0], $0xffff;
	v32 =	vadd.s32 v3, v17;
	[tilespmem:s1+$0x20] =	vst v24  }
0xac: {  	v18 =	vand.u32 $0x3E, v18;
	v19 =	vmov s14;
	v24 =	vadd.s32 v12, v21;
	[tilespmem:s31+$0x30] =	vst v26;
	v25 =	vld.idx.msk [tilespmem:v25+s17+$0x0], $0xffff  }
0xad: {  	v19 =	vand.u32 $0x3F, v19;
	v26 =	vadd.s32 v3, v18;
	v28 =	vld.idx.msk [tilespmem:v28+s17+$0x0], $0xffff  }
0xae: {  	v34 =	vadd.s32 v3, v19;
	[tilespmem:s0+$0x30] =	vst v27;
	v30 =	vld.idx.msk [tilespmem:v30+s17+$0x0], $0xffff  }
0xaf: {  	v27 =	vld.idx.msk [tilespmem:v29+s17+$0x0], $0xffff;
	v29 =	vadd.s32 v12, v22  }
0xb0: {  	s15 =	simm.s32 $0x200;
	v33 =	vadd.s32 v13, v20;
	[tilespmem:s30+$0xFFFFFFF0] =	vst v31;
	v32 =	vld.idx.msk [tilespmem:v32+s17+$0x0], $0xffff  }
0xb1: {  	s10 =	sand.u32 $0x1C00, s15;
	v35 =	vadd.s32 v9, v16;
	v24 =	vld.idx.msk [tilespmem:v24+s17+$0x0], $0xffff  }
0xb2: {  	s14 =	sadd.s32 s10, s9;
	s10 =	sadd.s32 $0x200, s30;
	v31 =	vadd.s32 v13, v23;
	v26 =	vld.idx.msk [tilespmem:v26+s17+$0x0], $0xffff;
	[tilespmem:s1+$0x30] =	vst v25  }
0xb3: {  	s16 =	simm.s32 $0x280;
	v25 =	vadd.s32 v13, v21;
	[tilespmem:s10+$0xFFFFFFC0] =	vst v30;
	v30 =	vld.idx.msk [tilespmem:v34+s17+$0x0], $0xffff  }
0xb4: {  	s13 =	simm.s32 $0x300;
	s12 =	sand.u32 $0x280, s16;
	[tilespmem:s31+$0x40] =	vst v28;
	v28 =	vld.idx.msk [tilespmem:v29+s17+$0x0], $0xffff;
	v29 =	vadd.s32 v9, v17  }
0xb5: {  	s13 =	sand.u32 $0x300, s13;
	s12 =	sadd.s32 s12, s14;
	v33 =	vld.idx.msk [tilespmem:v33+s17+$0x0], $0xffff;
	[tilespmem:s0+$0x40] =	vst v27;
	v27 =	vadd.s32 v9, v18  }
0xb6: {  	s15 =	sadd.s32 s13, s14;
	s13 =	simm.s32 $0x380;
	v59 =	vadd.s32 v9, v19;
	[tilespmem:s12+$0x0] =	vst v32;
	v58 =	vld.idx.msk [tilespmem:v35+s17+$0x0], $0xffff  }
0xb7: {  	v57 =	vadd.s32 v13, v22;
	s16 =	sand.u32 $0x380, s13;
	v31 =	vld.idx.msk [tilespmem:v31+s17+$0x0], $0xffff;
	[tilespmem:s30+$0x0] =	vst v24  }
0xb8: {  	s14 =	sadd.s32 s16, s14;
	[tilespmem:s15+$0x0] =	vst v26;
	v25 =	vld.idx.msk [tilespmem:v25+s17+$0x0], $0xffff;
	v26 =	vadd.s32 v14, v23  }
0xb9: {  	v24 =	vadd.s32 v14, v20;
	[tilespmem:s14+$0x0] =	vst v30;
	v29 =	vld.idx.msk [tilespmem:v29+s17+$0x0], $0xffff  }
0xba: {  	[tilespmem:s1+$0x40] =	vst v28;
	v28 =	vadd.s32 v10, v16;
	v27 =	vld.idx.msk [tilespmem:v27+s17+$0x0], $0xffff  }
0xbb: {  	v60 =	vadd.s32 v10, v17;
	[tilespmem:s31+$0x50] =	vst v33;
	v35 =	vld.idx.msk [tilespmem:v59+s17+$0x0], $0xffff  }
0xbc: {  	v61 =	vadd.s32 v10, v18;
	v30 =	vld.idx.msk [tilespmem:v57+s17+$0x0], $0xffff;
	[tilespmem:s0+$0x50] =	vst v31  }
0xbd: {  	[tilespmem:s10+$0xFFFFFFD0] =	vst v58;
	v31 =	vld.idx.msk [tilespmem:v26+s17+$0x0], $0xffff;
	v26 =	vadd.s32 v14, v22  }
0xbe: {  	v62 =	vadd.s32 v14, v21;
	v24 =	vld.idx.msk [tilespmem:v24+s17+$0x0], $0xffff;
	[tilespmem:s30+$0x10] =	vst v25  }
0xbf: {  	v23 =	vadd.s32 v15, v23;
	v28 =	vld.idx.msk [tilespmem:v28+s17+$0x0], $0xffff;
	[tilespmem:s12+$0x10] =	vst v29  }
0xc0: {  	v20 =	vadd.s32 v15, v20;
	[tilespmem:s15+$0x10] =	vst v27;
	v29 =	vld.idx.msk [tilespmem:v60+s17+$0x0], $0xffff  }
0xc1: {  	v27 =	vadd.s32 v10, v19;
	v32 =	vld.idx.msk [tilespmem:v61+s17+$0x0], $0xffff;
	[tilespmem:s1+$0x50] =	vst v30  }
0xc2: {  	[tilespmem:s14+$0x10] =	vst v35;
	v30 =	vadd.s32 v11, v17;
	v63 =	vld.idx.msk [tilespmem:v26+s17+$0x0], $0xffff  }
0xc3: {  	v36 =	vadd.s32 v11, v18;
	v26 =	vld.idx.msk [tilespmem:v62+s17+$0x0], $0xffff;
	[tilespmem:s0+$0x60] =	vst v31  }
0xc4: {  	[tilespmem:s31+$0x60] =	vst v24;
	v25 =	vld.idx.msk [tilespmem:v23+s17+$0x0], $0xffff  }
0xc5: {  	v22 =	vadd.s32 v15, v22;
	v23 =	vld.idx.msk [tilespmem:v20+s17+$0x0], $0xffff;
	[tilespmem:s10+$0xFFFFFFE0] =	vst v28  }
0xc6: {  	v24 =	vadd.s32 v15, v21;
	[tilespmem:s12+$0x20] =	vst v29;
	v29 =	vld.idx.msk [tilespmem:v27+s17+$0x0], $0xffff  }
0xc7: {  	v31 =	vadd.s32 v11, v16;
	[tilespmem:s15+$0x20] =	vst v32;
	v27 =	vld.idx.msk [tilespmem:v30+s17+$0x0], $0xffff  }
0xc8: {  	s16 =	simm.s32 $0x8;
	v20 =	vadd.s32 v12, v17;
	v28 =	vld.idx.msk [tilespmem:v36+s17+$0x0], $0xffff;
	v30 =	vadd.s32 v11, v19;
	[tilespmem:s1+$0x60] =	vst v63  }
.LBB2_7:
0xc9: {  	s4 =	sadd.s32 $0x1, s16  }
0xca: {  	v21 =	vmov s16;
	p0 =	slt.u32 s16, $0x3C;
	v32 =	vadd.s32 v12, v16;
	[tilespmem:s30+$0x20] =	vst v26;
	v22 =	vld.idx.msk [tilespmem:v22+s17+$0x0], $0xffff;
	s6 =	smov.u32 s16;
	s16 =	sadd.s32 $0x4, s16  }
0xcb: {  	v33 =	vadd.s32 v12, v18;
	v21 =	vand.u32 $0x3C, v21;
	v26 =	vmov s4;
	s4 =	sadd.s32 $0x2, s6;
	v24 =	vld.idx.msk [tilespmem:v24+s17+$0x0], $0xffff;
	[tilespmem:s0+$0x70] =	vst v25;
	s0 =	smov.u32 s15  }
0xcc: {  	v25 =	vadd.s32 v3, v21;
	v26 =	vand.u32 $0x3D, v26;
	v34 =	vmov s4;
	s4 =	sadd.s32 $0x3, s6;
	v31 =	vld.idx.msk [tilespmem:v31+s17+$0x0], $0xffff;
	[tilespmem:s31+$0x70] =	vst v23;
	s31 =	smov.u32 s12  }
0xcd: {  	v23 =	vadd.s32 v3, v26;
	v34 =	vand.u32 $0x3E, v34;
	v35 =	vmov s4;
	[tilespmem:s14+$0x20] =	vst v29  }
0xce: {  	v29 =	vadd.s32 v12, v26;
	v36 =	vadd.s32 v3, v34;
	v35 =	vand.u32 $0x3F, v35;
	[tilespmem:s31+$0x30] =	vst v27;
	v27 =	vld.idx.msk [tilespmem:v30+s17+$0x0], $0xffff  }
0xcf: {  	v30 =	vadd.s32 v3, v35;
	v37 =	vld.idx.msk [tilespmem:v20+s17+$0x0], $0xffff;
	[tilespmem:s0+$0x30] =	vst v28;
	v20 =	vmov v29  }
0xd0: {  	v29 =	vadd.s32 v12, v19;
	v28 =	vld.idx.msk [tilespmem:v33+s17+$0x0], $0xffff;
	[tilespmem:s1+$0x70] =	vst v22;
	s1 =	smov.u32 s14  }
0xd1: {  	v22 =	vld.idx.msk [tilespmem:v25+s17+$0x0], $0xffff;
	v25 =	vadd.s32 v13, v17;
	[tilespmem:s30+$0x30] =	vst v24;
	s30 =	smov.u32 s10  }
0xd2: {  	v23 =	vld.idx.msk [tilespmem:v23+s17+$0x0], $0xffff;
	[tilespmem:s10+$0xFFFFFFF0] =	vst v31  }
0xd3: {  	s13 =	sadd.s32 $0x200, s13;
	v31 =	vadd.s32 v13, v18;
	v24 =	vld.idx.msk [tilespmem:v32+s17+$0x0], $0xffff  }
0xd4: {  	s4 =	sadd.s32 $0xFFFFFE80, s13;
	v32 =	vadd.s32 v9, v21;
	v33 =	vld.idx.msk [tilespmem:v36+s17+$0x0], $0xffff;
	[tilespmem:s1+$0x30] =	vst v27  }
0xd5: {  	s6 =	sadd.s32 $0xFFFFFF00, s13;
	s4 =	sand.u32 $0x1C00, s4;
	v27 =	vadd.s32 v13, v16;
	[tilespmem:s31+$0x40] =	vst v37;
	v29 =	vld.idx.msk [tilespmem:v29+s17+$0x0], $0xffff  }
0xd6: {  	s6 =	sand.u32 $0x280, s6;
	s4 =	sadd.s32 s4, s9;
	s10 =	sadd.s32 $0x200, s10;
	v36 =	vadd.s32 v9, v26;
	v25 =	vld.idx.msk [tilespmem:v25+s17+$0x0], $0xffff;
	[tilespmem:s0+$0x40] =	vst v28  }
0xd7: {  	s12 =	sadd.s32 s6, s4;
	s6 =	sadd.s32 $0xFFFFFF80, s13;
	[tilespmem:s10+$0xFFFFFFC0] =	vst v22;
	v22 =	vadd.s32 v9, v34;
	v28 =	vld.idx.msk [tilespmem:v30+s17+$0x0], $0xffff  }
0xd8: {  	s6 =	sand.u32 $0x300, s6;
	v30 =	vadd.s32 v13, v19;
	[tilespmem:s12+$0x0] =	vst v23;
	v23 =	vld.idx.msk [tilespmem:v31+s17+$0x0], $0xffff  }
0xd9: {  	s15 =	sadd.s32 s6, s4;
	v31 =	vld.idx.msk [tilespmem:v32+s17+$0x0], $0xffff;
	[tilespmem:s30+$0x0] =	vst v24;
	v24 =	vadd.s32 v14, v17  }
0xda: {  	v32 =	vadd.s32 v14, v18;
	[tilespmem:s15+$0x0] =	vst v33;
	v27 =	vld.idx.msk [tilespmem:v27+s17+$0x0], $0xffff  }
0xdb: {  	s6 =	sand.u32 $0x380, s13;
	v33 =	vld.idx.msk [tilespmem:v36+s17+$0x0], $0xffff;
	v36 =	vadd.s32 v9, v35;
	[tilespmem:s1+$0x40] =	vst v29  }
0xdc: {  	s14 =	sadd.s32 s6, s4;
	v29 =	vadd.s32 v10, v21;
	v22 =	vld.idx.msk [tilespmem:v22+s17+$0x0], $0xffff;
	[tilespmem:s31+$0x50] =	vst v25  }
0xdd: {  	v25 =	vadd.s32 v10, v26;
	[tilespmem:s14+$0x0] =	vst v28;
	v28 =	vld.idx.msk [tilespmem:v30+s17+$0x0], $0xffff  }
0xde: {  	v30 =	vadd.s32 v10, v34;
	v24 =	vld.idx.msk [tilespmem:v24+s17+$0x0], $0xffff;
	[tilespmem:s0+$0x50] =	vst v23  }
0xdf: {  	v23 =	vadd.s32 v14, v16;
	[tilespmem:s10+$0xFFFFFFD0] =	vst v31;
	v31 =	vld.idx.msk [tilespmem:v32+s17+$0x0], $0xffff;
	v32 =	vadd.s32 v14, v19  }
0xe0: {  	v36 =	vld.idx.msk [tilespmem:v36+s17+$0x0], $0xffff;
	[tilespmem:s30+$0x10] =	vst v27  }
0xe1: {  	v27 =	vld.idx.msk [tilespmem:v29+s17+$0x0], $0xffff;
	[tilespmem:s12+$0x10] =	vst v33;
	v29 =	vadd.s32 v15, v18;
	v18 =	vmov v34  }
0xe2: {  	v34 =	vadd.s32 v15, v17;
	v17 =	vmov v26;
	v33 =	vld.idx.msk [tilespmem:v25+s17+$0x0], $0xffff;
	[tilespmem:s15+$0x10] =	vst v22  }
0xe3: {  	v37 =	vadd.s32 v10, v35;
	v30 =	vld.idx.msk [tilespmem:v30+s17+$0x0], $0xffff;
	[tilespmem:s1+$0x50] =	vst v28  }
0xe4: {  	v28 =	vadd.s32 v11, v17;
	[tilespmem:s31+$0x60] =	vst v24;
	v32 =	vld.idx.msk [tilespmem:v32+s17+$0x0], $0xffff  }
0xe5: {  	v38 =	vadd.s32 v11, v18;
	v26 =	vld.idx.msk [tilespmem:v23+s17+$0x0], $0xffff;
	[tilespmem:s0+$0x60] =	vst v31  }
.Ltmp2:
0xe6: {  	v22 =	vadd.s32 v15, v19;
	v24 =	vadd.s32 v15, v16;
	v16 =	vmov v21;
	[tilespmem:s14+$0x10] =	vst v36;
	v25 =	vld.idx.msk [tilespmem:v29+s17+$0x0], $0xffff;
	(pc) =	sbr.rel @p0 .LBB2_7-.Ltmp2, $4  }
0xe7: {  	v19 =	vmov v35;
	[tilespmem:s10+$0xFFFFFFE0] =	vst v27;
	v23 =	vld.idx.msk [tilespmem:v34+s17+$0x0], $0xffff  }
0xe8: {  	v31 =	vadd.s32 v11, v16;
	[tilespmem:s12+$0x20] =	vst v33;
	v29 =	vld.idx.msk [tilespmem:v37+s17+$0x0], $0xffff  }
0xe9: {  	v27 =	vld.idx.msk [tilespmem:v28+s17+$0x0], $0xffff;
	[tilespmem:s15+$0x20] =	vst v30  }
0xea: {  	v30 =	vadd.s32 v11, v19;
	v28 =	vld.idx.msk [tilespmem:v38+s17+$0x0], $0xffff;
	[tilespmem:s1+$0x60] =	vst v32  }
0xeb: {  	_ =	sdelay $0x3  }
0xec: {  	v21 =	vadd.s32 v12, v18;
	v47 =	vld.idx.msk [tilespmem:v31+s17+$0x0], $0xffff;
	[tilespmem:s14+$0x20] =	vst v29  }
0xed: {  	v32 =	vadd.s32 v12, v16;
	v29 =	vld.idx.msk [tilespmem:v30+s17+$0x0], $0xffff  }
0xee: {  	v48 =	vadd.s32 v12, v19  }
0xef: {  	[tilespmem:s12+$0x30] =	vst v27  }
0xf0: {  	[tilespmem:s15+$0x30] =	vst v28;
	v20 =	vld.idx.msk [tilespmem:v20+s17+$0x0], $0xffff  }
0xf1: {  	v50 =	vadd.s32 v13, v17;
	v21 =	vld.idx.msk [tilespmem:v21+s17+$0x0], $0xffff;
	[tilespmem:s10+$0xFFFFFFF0] =	vst v47  }
0xf2: {  	v49 =	vadd.s32 v13, v18;
	v30 =	vld.idx.msk [tilespmem:v32+s17+$0x0], $0xffff;
	[tilespmem:s14+$0x30] =	vst v29  }
0xf3: {  	v52 =	vadd.s32 v13, v16;
	v29 =	vld.idx.msk [tilespmem:v48+s17+$0x0], $0xffff  }
0xf4: {  	v51 =	vadd.s32 v13, v19  }
0xf5: {  	[tilespmem:s12+$0x40] =	vst v20  }
0xf6: {  	[tilespmem:s15+$0x40] =	vst v21;
	v54 =	vld.idx.msk [tilespmem:v50+s17+$0x0], $0xffff  }
0xf7: {  	v56 =	vadd.s32 v14, v17;
	v53 =	vld.idx.msk [tilespmem:v49+s17+$0x0], $0xffff;
	[tilespmem:s10+$0x0] =	vst v30  }
0xf8: {  	v55 =	vadd.s32 v14, v18;
	v30 =	vld.idx.msk [tilespmem:v52+s17+$0x0], $0xffff;
	[tilespmem:s14+$0x40] =	vst v29  }
0xf9: {  	v58 =	vadd.s32 v14, v16;
	v29 =	vld.idx.msk [tilespmem:v51+s17+$0x0], $0xffff  }
0xfa: {  	v57 =	vadd.s32 v14, v19;
	[tilespmem:s30+$0x20] =	vst v26  }
0xfb: {  	[tilespmem:s12+$0x50] =	vst v54  }
0xfc: {  	[tilespmem:s15+$0x50] =	vst v53;
	v21 =	vld.idx.msk [tilespmem:v56+s17+$0x0], $0xffff  }
0xfd: {  	v17 =	vadd.s32 v15, v17;
	v20 =	vld.idx.msk [tilespmem:v55+s17+$0x0], $0xffff;
	[tilespmem:s10+$0x10] =	vst v30  }
0xfe: {  	v59 =	vadd.s32 v15, v18;
	v61 =	vld.idx.msk [tilespmem:v58+s17+$0x0], $0xffff;
	[tilespmem:s14+$0x50] =	vst v29  }
0xff: {  	[tilespmem:s0+$0x70] =	vst v25;
	v16 =	vadd.s32 v15, v16;
	v60 =	vld.idx.msk [tilespmem:v57+s17+$0x0], $0xffff  }
0x100: {  	v62 =	vadd.s32 v15, v19;
	v22 =	vld.idx.msk [tilespmem:v22+s17+$0x0], $0xffff;
	[tilespmem:s31+$0x70] =	vst v23  }
0x101: {  	v63 =	vld.idx.msk [tilespmem:v24+s17+$0x0], $0xffff;
	[tilespmem:s12+$0x60] =	vst v21  }
0x102: {  	[tilespmem:s15+$0x60] =	vst v20;
	v17 =	vld.idx.msk [tilespmem:v17+s17+$0x0], $0xffff  }
0x103: {  	v18 =	vld.idx.msk [tilespmem:v59+s17+$0x0], $0xffff;
	[tilespmem:s10+$0x20] =	vst v61  }
0x104: {  	v16 =	vld.idx.msk [tilespmem:v16+s17+$0x0], $0xffff;
	[tilespmem:s14+$0x60] =	vst v60  }
0x105: {  	[tilespmem:s1+$0x70] =	vst v22;
	v19 =	vld.idx.msk [tilespmem:v62+s17+$0x0], $0xffff  }
0x106: {  	[tilespmem:s30+$0x30] =	vst v63  }
0x107: {  	[tilespmem:s12+$0x70] =	vst v17  }
0x108: {  	[tilespmem:s15+$0x70] =	vst v18  }
0x109: {  	s4 =	sadd.s32 $0x5, s29;
	s31 =	sshll.u32 s26, $0xF;
	s1 =	sshll.u32 s29, $0xD;
	[tilespmem:s10+$0x30] =	vst v16  }
0x10a: {  	p0 =	sgt.u32 s26, $0xC3;
	s0 =	sadd.s32 s31, s5;
	s6 =	sadd.s32 $0x16C00, s1;
	[tilespmem:s14+$0x70] =	vst v19  }
0x10b: {  	[hbm4b:s0+s18] =	stream.strided.scatter [tilespmem:s6], [sflag:s4], $0x2000, s19, s18, $0x38;
	[tilespmem:$0x1EC00] =	vst v63  }
0x10c: {  	s0 =	sshll.u32 @!p0 s26, $0x7  }
0x10d: {  	s1 =	sadd.s32 @!p0 $0xC800, s1;
	s0 =	sand.u32 @!p0 $0x3FFFFF80, s0  }
0x10e: {  	s4 =	simm.s32 @!p0 $0x80;
	s26 =	sadd.s32 $0x1, s26;
	s0 =	sadd.s32 @!p0 $0x6600, s0  }
0x10f: {  	[tilespmem:s1], [sflag:s28] =	stream.indirect.gather @!p0 [hbm4b:s3+s4], $0x40, s0, s4, $0xb8;
	[tilespmem:$0x1EC00] =	vst v63  }
0x110: {  	p0 =	sne.s32 s26, $0xC8  }
.Ltmp3:
0x111: {  	_ = 	snop;
	(pc) =	sbr.rel @p0 .LBB2_4-.Ltmp3, $2  }
0x112: {  	_ =	sdelay $0x2  }
0x113: {  	s25 =	sadd.s32 $0x1, s25  }
0x114: {  	_ =	swait.ge [sflag:s20], $0x2000  }
0x115: {  	[sflag:s20] =	ssyncset.done $0x0  }
0x116: {  	[sflag:s20] =	ssyncadd.s32 $0xFFFFE000  }
0x117: {  	_ =	swait.ge [sflag:s21], $0x2000  }
0x118: {  	[sflag:s21] =	ssyncset.done $0x0  }
0x119: {  	[sflag:s21] =	ssyncadd.s32 $0xFFFFE000  }
0x11a: {  	_ =	swait.ge [sflag:s22], $0x2000  }
0x11b: {  	[sflag:s22] =	ssyncset.done $0x0  }
0x11c: {  	[sflag:s22] =	ssyncadd.s32 $0xFFFFE000  }
0x11d: {  	_ =	swait.ge [sflag:s23], $0x2000  }
0x11e: {  	s24 =	sadd.s32 $0x1, s24;
	s0 =	rddreg [dreg:$0x4]  }
0x11f: {  	p0 =	sne.s32 s24, s0  }
.Ltmp4:
0x120: {  	_ = 	snop;
	(pc) =	sbr.rel @p0 .LBB2_1-.Ltmp4, $3  }
0x121: {  	_ =	sdelay $0x1  }
0x122: {  	[sflag:s23] =	ssyncset.done $0x0  }
0x123: {  	[sflag:s23] =	ssyncadd.s32 $0xFFFFE000  }
0x124: {  	_ =	sfence.sel $0x180000  }
0x125: {  	[bflag:$0x0] =	sbarrier.arrive $0xFFFF  }
0x126: {  	_ =	strace $0x90000047  }
0x127: {  	s0 =	stileid.u32;
	[bflag:$0x2] =	sbarrier.arrive $0xFFFF  }
0x128: {  	p0 =	sne.s32 s0, $0x0;
	s0 =	rddreg [dreg:$0x2]  }
0x129: {  	s0 =	sadd.s32 @!p0 $0x100000, s0  }
0x12a: {  	[sflag:s0] =	ssyncadd.tile.s32 @!p0 $0x1;
	_ =	shalt  }
.Lfunc_end2:
_tile_overlayer_lowered:
.L_overlay_start_2:
0x12b: {  	(tag) =	ssettag $0x2  }
0x12c: {  	s0 =	rddreg [dreg:$0x0];
	s2 =	stileid.u32  }
0x12d: {  	s1 =	rddreg [dreg:$0x1];
	p0 =	sne.s32 s2, $0x0  }
0x12e: {  	s3 =	rddreg [dreg:$0x2];
	[bflag:$0x3] =	sbarrier.arrive $0xFFFF;
	s2 =	simm.s32 @!p0 $0x1C09  }
0x12f: {  	[timem:s3], [sflag:s2] =	dma.local @!p0 [hbm:s0], s1  }
0x130: {  	s0 =	simm.s32 @!p0 $0x9  }
0x131: {  	_ =	swait.ge @!p0 [sflag:s0], s1  }
0x132: {  	s1 =	ssub.s32 @!p0 $0x0, s1;
	[sflag:s0] =	ssyncset.done @!p0 $0x0  }
0x133: {  	[sflag:s0] =	ssyncadd.s32 @!p0 s1  }
0x134: {  	[bflag:$0x3] =	sbarrier.arrive $0xFFFF  }
0x135: {  	_ =	shalt  }

</sc_bundles>
